<compile_context>
chip_gen: v7x
topology: tpu7x:2x2x1
jax: 0.10.2.dev20260603
libtpu: 0.0.44.dev20260713+nightly
codegen_flags: <defaults>
</compile_context>

<pallas_src>
import dataclasses
import functools

import jax
import jax.numpy as jnp
from jax import lax
from jax.experimental import pallas as pl
from jax.experimental.pallas import tpu as pltpu
from jax.experimental.pallas import tpu_sc as plsc

N_NODES = 10000
N_EDGES = 320000
C = 128
NEG_SLOPE = 0.2

N_PAD = 10240
TILES = 16
EPT = N_EDGES // TILES
LANES = 16
UNROLL = 5
SLICE_N = N_PAD // TILES


def _scores_tc(x, a2):

    def body(a_ref, x_ref, o_ref):
        res = jax.lax.dot_general(
            a_ref[...], x_ref[...],
            dimension_numbers=(((1,), (1,)), ((), ())),
            preferred_element_type=jnp.float32,
            precision=jax.lax.Precision.HIGHEST,
        )
        o_ref[pl.ds(0, N_NODES)] = res[0]
        o_ref[pl.ds(N_NODES, N_NODES)] = res[1]

    return pl.pallas_call(
        body,
        out_shape=jax.ShapeDtypeStruct((2 * N_NODES,), jnp.float32),
    )(a2, x)


def _edge_softmax_sc(scores2, edge_index):
    mesh = plsc.VectorSubcoreMesh(
        core_axis_name="c", subcore_axis_name="s", num_cores=1)
    cp = pltpu.CompilerParams()
    if "needs_layout_passes" in pltpu.CompilerParams.__dataclass_fields__:
        cp = dataclasses.replace(cp, needs_layout_passes=False)

    @functools.partial(
        pl.kernel,
        compiler_params=cp,
        out_type=jax.ShapeDtypeStruct((TILES, EPT), jnp.float32),
        mesh=mesh,
        scratch_types=[
            pltpu.VMEM((N_NODES,), jnp.float32),
            pltpu.VMEM((N_NODES,), jnp.float32),
            pltpu.VMEM((EPT,), jnp.int32),
            pltpu.VMEM((EPT,), jnp.int32),
            pltpu.VMEM((EPT,), jnp.float32),
            pltpu.VMEM((N_PAD,), jnp.float32),
            pltpu.VMEM((N_PAD,), jnp.float32),
            pltpu.VMEM((TILES, SLICE_N), jnp.float32),
            pltpu.VMEM_SHARED((TILES, N_PAD), jnp.float32),
            pltpu.VMEM_SHARED((N_PAD,), jnp.float32),
            pltpu.SemaphoreType.DMA,
        ],
    )
    def body(s_hbm, ei_hbm, out_hbm,
             s1_v, s2_v, row_v, col_v, ex_v, denom_p, recip_v, slab_v,
             part_sh, recip_sh, sem):
        wid = lax.axis_index("s")
        base = wid * EPT
        s1_sl = s_hbm.at[pl.ds(0, N_NODES)]
        s2_sl = s_hbm.at[pl.ds(N_NODES, N_NODES)]
        row_sl = ei_hbm.at[pl.ds(base, EPT)]
        col_sl = ei_hbm.at[pl.ds(N_EDGES + base, EPT)]
        pltpu.async_copy(s1_sl, s1_v, sem)
        pltpu.async_copy(s2_sl, s2_v, sem)
        pltpu.async_copy(row_sl, row_v, sem)
        pltpu.async_copy(col_sl, col_v, sem)

        zeros = jnp.zeros((LANES,), jnp.float32)

        @plsc.parallel_loop(0, N_PAD, step=LANES, unroll=8)
        def _(i):
            denom_p[pl.ds(i, LANES)] = zeros

        pltpu.make_async_copy(s1_sl, s1_v, sem).wait()
        pltpu.make_async_copy(s2_sl, s2_v, sem).wait()
        pltpu.make_async_copy(row_sl, row_v, sem).wait()
        pltpu.make_async_copy(col_sl, col_v, sem).wait()

        @plsc.parallel_loop(0, EPT, step=LANES, unroll=UNROLL)
        def _(j):
            sl = pl.ds(j, LANES)
            ir = row_v[sl]
            ic = col_v[sl]
            a = plsc.load_gather(s1_v, [ir]) + plsc.load_gather(s2_v, [ic])
            ex = jnp.exp(jnp.maximum(a, a * NEG_SLOPE))
            ex_v[sl] = ex
            plsc.addupdate_scatter(denom_p, [ir], ex)

        pltpu.sync_copy(denom_p, part_sh.at[wid])
        plsc.subcore_barrier()
        for t in range(TILES):
            pltpu.async_copy(
                part_sh.at[t, pl.ds(wid * SLICE_N, SLICE_N)], slab_v.at[t], sem)
        for t in range(TILES):
            pltpu.make_async_copy(
                part_sh.at[t, pl.ds(wid * SLICE_N, SLICE_N)], slab_v.at[t],
                sem).wait()

        @plsc.parallel_loop(0, SLICE_N, step=LANES, unroll=4)
        def _(v):
            sl = pl.ds(v, LANES)
            acc = slab_v[0, sl]
            for t in range(1, TILES):
                acc = acc + slab_v[t, sl]
            recip_v[sl] = 1.0 / acc

        pltpu.sync_copy(recip_v.at[pl.ds(0, SLICE_N)],
                        recip_sh.at[pl.ds(wid * SLICE_N, SLICE_N)])
        plsc.subcore_barrier()
        pltpu.sync_copy(recip_sh, recip_v)

        @plsc.parallel_loop(0, EPT, step=LANES, unroll=UNROLL)
        def _(j):
            sl = pl.ds(j, LANES)
            r = plsc.load_gather(recip_v, [row_v[sl]])
            ex_v[sl] = ex_v[sl] * r

        pltpu.sync_copy(ex_v, out_hbm.at[wid])

    return body(scores2, edge_index)


def kernel(x, edge_index, att):
    a2 = att[:, 0].reshape(2, C)
    s_flat = _scores_tc(x, a2)
    out = _edge_softmax_sc(s_flat, edge_index.reshape(2 * N_EDGES))
    return out.reshape(1, N_EDGES)

# --- scband reference (transcript-rebuilt; emitter-appended) ---
"""Pipeline reference for scband-custom-attention-layer-13563506720864 (READ-ONLY COPY).

The authoritative reference and input builder live on the scoring server;
editing this copy changes nothing except your own understanding.
"""

import jax, jax.numpy as jnp
import numpy as np

N_NODES = 10000
N_EDGES = 320000
IN_CHANNELS = 128
NEG_SLOPE = 0.2


def setup_inputs(seed: int = 0) -> dict:
    key = jax.random.key(seed)
    k1, k2, k3 = jax.random.split(key, 3)
    x = jax.random.normal(k1, (N_NODES, IN_CHANNELS), dtype=jnp.float32)
    edge_index = jax.random.randint(k2, (2, N_EDGES), 0, N_NODES, dtype=jnp.int32)
    # xavier_uniform init for att of shape (2*C, 1): bound = sqrt(6/(fan_in+fan_out))
    bound = float(np.sqrt(6.0 / (2 * IN_CHANNELS + 1)))
    att = jax.random.uniform(k3, (2 * IN_CHANNELS, 1), dtype=jnp.float32, minval=-bound, maxval=bound)
    return {"x": x, "edge_index": edge_index, "att": att}


def reference(x, edge_index, att):
    row = edge_index[0]
    col = edge_index[1]
    h = jnp.concatenate([x[row], x[col]], axis=-1)  # [E, 2C] gather
    alpha = jnp.matmul(h, att)                      # [E, 1]
    alpha = jax.nn.leaky_relu(alpha, negative_slope=NEG_SLOPE)
    a = alpha.T[0]                                  # [E] (alpha.t() then work on last dim)
    # scatter_softmax over segments defined by row
    seg_max = jax.ops.segment_max(a, row, num_segments=N_NODES)
    seg_max = jnp.where(jnp.isneginf(seg_max), 0.0, seg_max)  # guard empty segments
    ex = jnp.exp(a - seg_max[row])
    denom = jax.ops.segment_sum(ex, row, num_segments=N_NODES)
    out = ex / denom[row]
    # torch result is [1, E] after transpose; squeeze(-1) is a no-op since E != 1
    return out.reshape(1, N_EDGES)

if __name__ == "__main__":
    import jax
    _d = setup_inputs()
    print(jax.jit(kernel)(*tuple(_d.values())))

</pallas_src>

<mosaic_0001>
#map = affine_map<(d0, d1) -> (0)>
#map1 = affine_map<(d0, d1) -> (0, 0)>
module attributes {stable_mosaic.version = 14 : i64} {
  func.func @body(%arg0: i32, %arg1: i32, %arg2: memref<20000xf32, #tpu.memory_space<hbm>>, %arg3: memref<640000xi32, #tpu.memory_space<hbm>>, %arg4: memref<16x20000xf32, #tpu.memory_space<hbm>>, %arg5: memref<10000xf32, #tpu.memory_space<vmem>>, %arg6: memref<10000xf32, #tpu.memory_space<vmem>>, %arg7: memref<20000xi32, #tpu.memory_space<vmem>>, %arg8: memref<20000xi32, #tpu.memory_space<vmem>>, %arg9: memref<20000xf32, #tpu.memory_space<vmem>>, %arg10: memref<10240xf32, #tpu.memory_space<vmem>>, %arg11: memref<10240xf32, #tpu.memory_space<vmem>>, %arg12: memref<16x640xf32, #tpu.memory_space<vmem>>, %arg13: memref<16x10240xf32, #tpu.memory_space<vmem_shared>>, %arg14: memref<10240xf32, #tpu.memory_space<vmem_shared>>, %arg15: memref<!tpu.dma_semaphore, #tpu.memory_space<semaphore_mem>>) attributes {dimension_semantics = [#tpu.dimension_semantics<core_parallel>, #tpu.dimension_semantics<subcore_parallel>], iteration_bounds = array<i64: 1, 16>, scalar_prefetch = 0 : i64, scratch_operands = 11 : i64, tpu.core_type = #tpu.core_type<sc_vector_subcore>, window_params = [{transform_indices = #map}, {transform_indices = #map}, {transform_indices = #map1}]} {
    %mul3A = arith.constant 20000 : i32
    %mul3A_0 = arith.muli %arg1, %mul3A : i32
    %add3A = arith.constant 320000 : i32
    %add3A_1 = arith.addi %add3A, %mul3A_0 : i32
    %dma_start3A = arith.constant 0 : i32
    %dma_start3A_2 = tpu.memref_slice %arg2[%dma_start3A] : memref<20000xf32, #tpu.memory_space<hbm>> -> memref<10000xf32, #tpu.memory_space<hbm>>
    %dma_start3A_3 = arith.constant 0 : i32
    %dma_start3A_4 = tpu.memref_slice %arg2[%dma_start3A_3] : memref<20000xf32, #tpu.memory_space<hbm>> -> memref<10000xf32, #tpu.memory_space<hbm>>
    tpu.enqueue_dma source(%dma_start3A_4 : memref<10000xf32, #tpu.memory_space<hbm>>) target(%arg5 : memref<10000xf32, #tpu.memory_space<vmem>>) target_semaphore(%arg15 : memref<!tpu.dma_semaphore, #tpu.memory_space<semaphore_mem>>)
    %dma_start3A_5 = arith.constant 10000 : i32
    %dma_start3A_6 = tpu.memref_slice %arg2[%dma_start3A_5] : memref<20000xf32, #tpu.memory_space<hbm>> -> memref<10000xf32, #tpu.memory_space<hbm>>
    %dma_start3A_7 = arith.constant 10000 : i32
    %dma_start3A_8 = tpu.memref_slice %arg2[%dma_start3A_7] : memref<20000xf32, #tpu.memory_space<hbm>> -> memref<10000xf32, #tpu.memory_space<hbm>>
    tpu.enqueue_dma source(%dma_start3A_8 : memref<10000xf32, #tpu.memory_space<hbm>>) target(%arg6 : memref<10000xf32, #tpu.memory_space<vmem>>) target_semaphore(%arg15 : memref<!tpu.dma_semaphore, #tpu.memory_space<semaphore_mem>>)
    %dma_start3A_9 = tpu.memref_slice %arg3[%mul3A_0] : memref<640000xi32, #tpu.memory_space<hbm>> -> memref<20000xi32, #tpu.memory_space<hbm>>
    %dma_start3A_10 = tpu.memref_slice %arg3[%mul3A_0] : memref<640000xi32, #tpu.memory_space<hbm>> -> memref<20000xi32, #tpu.memory_space<hbm>>
    tpu.enqueue_dma source(%dma_start3A_10 : memref<20000xi32, #tpu.memory_space<hbm>>) target(%arg7 : memref<20000xi32, #tpu.memory_space<vmem>>) target_semaphore(%arg15 : memref<!tpu.dma_semaphore, #tpu.memory_space<semaphore_mem>>)
    %dma_start3A_11 = tpu.memref_slice %arg3[%add3A_1] : memref<640000xi32, #tpu.memory_space<hbm>> -> memref<20000xi32, #tpu.memory_space<hbm>>
    %dma_start3A_12 = tpu.memref_slice %arg3[%add3A_1] : memref<640000xi32, #tpu.memory_space<hbm>> -> memref<20000xi32, #tpu.memory_space<hbm>>
    tpu.enqueue_dma source(%dma_start3A_12 : memref<20000xi32, #tpu.memory_space<hbm>>) target(%arg8 : memref<20000xi32, #tpu.memory_space<vmem>>) target_semaphore(%arg15 : memref<!tpu.dma_semaphore, #tpu.memory_space<semaphore_mem>>)
    %broadcast_in_dim3A = arith.constant 0.000000e+00 : f32
    %broadcast_in_dim3A_13 = vector.broadcast %broadcast_in_dim3A : f32 to vector<16xf32>
    %parallel_loop3A = arith.constant 0 : i32
    %parallel_loop3A_14 = arith.constant 10240 : i32
    %parallel_loop3A_15 = arith.constant 16 : i32
    scf.for %parallel_loop3A_487 = %parallel_loop3A to %parallel_loop3A_14 step %parallel_loop3A_15  : i32 {
      %parallel_loop3A_488 = arith.index_cast %parallel_loop3A_487 : i32 to index
      %parallel_loop3A_489 = tpu.vector_load %arg10[%parallel_loop3A_488] {strides = array<i32>} : memref<10240xf32, #tpu.memory_space<vmem>>, vector<16xf32>,
      tpu.vector_store %arg10[%parallel_loop3A_488], %broadcast_in_dim3A_13 {strides = array<i32>} : memref<10240xf32, #tpu.memory_space<vmem>>, vector<16xf32>,
    } {sc.loop_unroll_factor = 8 : i64, sc.parallel_access}
    %dma_wait3A = arith.constant 0 : i32
    %dma_wait3A_16 = tpu.memref_slice %arg2[%dma_wait3A] : memref<20000xf32, #tpu.memory_space<hbm>> -> memref<10000xf32, #tpu.memory_space<hbm>>
    %dma_wait3A_17 = arith.constant 0 : i32
    %dma_wait3A_18 = tpu.memref_slice %arg2[%dma_wait3A_17] : memref<20000xf32, #tpu.memory_space<hbm>> -> memref<10000xf32, #tpu.memory_space<hbm>>
    tpu.wait_dma2 semaphore(%arg15 : memref<!tpu.dma_semaphore, #tpu.memory_space<semaphore_mem>>) src(%dma_wait3A_18 : memref<10000xf32, #tpu.memory_space<hbm>>) dst(%arg5 : memref<10000xf32, #tpu.memory_space<vmem>>)
    %dma_wait3A_19 = arith.constant 10000 : i32
    %dma_wait3A_20 = tpu.memref_slice %arg2[%dma_wait3A_19] : memref<20000xf32, #tpu.memory_space<hbm>> -> memref<10000xf32, #tpu.memory_space<hbm>>
    %dma_wait3A_21 = arith.constant 10000 : i32
    %dma_wait3A_22 = tpu.memref_slice %arg2[%dma_wait3A_21] : memref<20000xf32, #tpu.memory_space<hbm>> -> memref<10000xf32, #tpu.memory_space<hbm>>
    tpu.wait_dma2 semaphore(%arg15 : memref<!tpu.dma_semaphore, #tpu.memory_space<semaphore_mem>>) src(%dma_wait3A_22 : memref<10000xf32, #tpu.memory_space<hbm>>) dst(%arg6 : memref<10000xf32, #tpu.memory_space<vmem>>)
    %dma_wait3A_23 = tpu.memref_slice %arg3[%mul3A_0] : memref<640000xi32, #tpu.memory_space<hbm>> -> memref<20000xi32, #tpu.memory_space<hbm>>
    %dma_wait3A_24 = tpu.memref_slice %arg3[%mul3A_0] : memref<640000xi32, #tpu.memory_space<hbm>> -> memref<20000xi32, #tpu.memory_space<hbm>>
    tpu.wait_dma2 semaphore(%arg15 : memref<!tpu.dma_semaphore, #tpu.memory_space<semaphore_mem>>) src(%dma_wait3A_24 : memref<20000xi32, #tpu.memory_space<hbm>>) dst(%arg7 : memref<20000xi32, #tpu.memory_space<vmem>>)
    %dma_wait3A_25 = tpu.memref_slice %arg3[%add3A_1] : memref<640000xi32, #tpu.memory_space<hbm>> -> memref<20000xi32, #tpu.memory_space<hbm>>
    %dma_wait3A_26 = tpu.memref_slice %arg3[%add3A_1] : memref<640000xi32, #tpu.memory_space<hbm>> -> memref<20000xi32, #tpu.memory_space<hbm>>
    tpu.wait_dma2 semaphore(%arg15 : memref<!tpu.dma_semaphore, #tpu.memory_space<semaphore_mem>>) src(%dma_wait3A_26 : memref<20000xi32, #tpu.memory_space<hbm>>) dst(%arg8 : memref<20000xi32, #tpu.memory_space<vmem>>)
    %parallel_loop3A_27 = arith.constant 0 : i32
    %parallel_loop3A_28 = arith.constant 20000 : i32
    %parallel_loop3A_29 = arith.constant 16 : i32
    scf.for %parallel_loop3A_487 = %parallel_loop3A_27 to %parallel_loop3A_28 step %parallel_loop3A_29  : i32 {
      %parallel_loop3A_488 = arith.index_cast %parallel_loop3A_487 : i32 to index
      %parallel_loop3A_489 = tpu.vector_load %arg7[%parallel_loop3A_488] {strides = array<i32>} : memref<20000xi32, #tpu.memory_space<vmem>>, vector<16xi32>,
      %parallel_loop3A_490 = arith.index_cast %parallel_loop3A_487 : i32 to index
      %parallel_loop3A_491 = tpu.vector_load %arg8[%parallel_loop3A_490] {strides = array<i32>} : memref<20000xi32, #tpu.memory_space<vmem>>, vector<16xi32>,
      %parallel_loop3A_492 = tpu.vector_load_idx %arg5[%parallel_loop3A_489] : memref<10000xf32, #tpu.memory_space<vmem>>[vector<16xi32>], vector<16xf32>,
      %parallel_loop3A_493 = tpu.vector_load_idx %arg6[%parallel_loop3A_491] : memref<10000xf32, #tpu.memory_space<vmem>>[vector<16xi32>], vector<16xf32>,
      %parallel_loop3A_494 = arith.addf %parallel_loop3A_492, %parallel_loop3A_493 : vector<16xf32>
      %parallel_loop3A_495 = arith.constant 2.000000e-01 : f32
      %parallel_loop3A_496 = vector.broadcast %parallel_loop3A_495 : f32 to vector<16xf32>
      %parallel_loop3A_497 = arith.mulf %parallel_loop3A_494, %parallel_loop3A_496 : vector<16xf32>
      %parallel_loop3A_498 = arith.maximumf %parallel_loop3A_494, %parallel_loop3A_497 : vector<16xf32>
      %parallel_loop3A_499 = math.exp %parallel_loop3A_498 : vector<16xf32>
      %parallel_loop3A_500 = arith.index_cast %parallel_loop3A_487 : i32 to index
      %parallel_loop3A_501 = tpu.vector_load %arg9[%parallel_loop3A_500] {strides = array<i32>} : memref<20000xf32, #tpu.memory_space<vmem>>, vector<16xf32>,
      tpu.vector_store %arg9[%parallel_loop3A_500], %parallel_loop3A_499 {strides = array<i32>} : memref<20000xf32, #tpu.memory_space<vmem>>, vector<16xf32>,
      tpu.vector_store_idx %arg10[%parallel_loop3A_489], %parallel_loop3A_499 {add = true} : memref<10240xf32, #tpu.memory_space<vmem>>[vector<16xi32>], vector<16xf32>,
    } {sc.loop_unroll_factor = 5 : i64, sc.parallel_access}
    "tpu.region"() ({
      %run_scoped3A = tpu.sem_alloc : memref<!tpu.dma_semaphore, #tpu.memory_space<semaphore_mem>>
      %dma_start3A_487 = arith.constant 0 : i32
      %dma_start3A_488 = tpu.memref_slice %arg13[%arg1, %dma_start3A_487] : memref<16x10240xf32, #tpu.memory_space<vmem_shared>> -> memref<1x10240xf32, #tpu.memory_space<vmem_shared>>
      %dma_start3A_489 = tpu.memref_squeeze %dma_start3A_488 : memref<1x10240xf32, #tpu.memory_space<vmem_shared>> -> memref<10240xf32, #tpu.memory_space<vmem_shared>>
      %dma_start3A_490 = arith.constant 0 : i32
      %dma_start3A_491 = tpu.memref_slice %arg13[%arg1, %dma_start3A_490] : memref<16x10240xf32, #tpu.memory_space<vmem_shared>> -> memref<1x10240xf32, #tpu.memory_space<vmem_shared>>
      %dma_start3A_492 = tpu.memref_squeeze %dma_start3A_491 : memref<1x10240xf32, #tpu.memory_space<vmem_shared>> -> memref<10240xf32, #tpu.memory_space<vmem_shared>>
      tpu.enqueue_dma source(%arg10 : memref<10240xf32, #tpu.memory_space<vmem>>) target(%dma_start3A_492 : memref<10240xf32, #tpu.memory_space<vmem_shared>>) target_semaphore(%run_scoped3A : memref<!tpu.dma_semaphore, #tpu.memory_space<semaphore_mem>>)
      %dma_wait3A_493 = arith.constant 0 : i32
      %dma_wait3A_494 = tpu.memref_slice %arg13[%arg1, %dma_wait3A_493] : memref<16x10240xf32, #tpu.memory_space<vmem_shared>> -> memref<1x10240xf32, #tpu.memory_space<vmem_shared>>
      %dma_wait3A_495 = tpu.memref_squeeze %dma_wait3A_494 : memref<1x10240xf32, #tpu.memory_space<vmem_shared>> -> memref<10240xf32, #tpu.memory_space<vmem_shared>>
      %dma_wait3A_496 = arith.constant 0 : i32
      %dma_wait3A_497 = tpu.memref_slice %arg13[%arg1, %dma_wait3A_496] : memref<16x10240xf32, #tpu.memory_space<vmem_shared>> -> memref<1x10240xf32, #tpu.memory_space<vmem_shared>>
      %dma_wait3A_498 = tpu.memref_squeeze %dma_wait3A_497 : memref<1x10240xf32, #tpu.memory_space<vmem_shared>> -> memref<10240xf32, #tpu.memory_space<vmem_shared>>
      tpu.wait_dma2 semaphore(%run_scoped3A : memref<!tpu.dma_semaphore, #tpu.memory_space<semaphore_mem>>) src(%arg10 : memref<10240xf32, #tpu.memory_space<vmem>>) dst(%dma_wait3A_498 : memref<10240xf32, #tpu.memory_space<vmem_shared>>)
      tpu.yield
    }) : () -> ()
    %barrier3A = arith.constant 0 : index
    tpu.barrier barrier_id(%barrier3A)
    %mul3A_30 = arith.constant 640 : i32
    %mul3A_31 = arith.muli %arg1, %mul3A_30 : i32
    %dma_start3A_32 = arith.constant 0 : i32
    %dma_start3A_33 = arith.constant 0 : i32
    %dma_start3A_34 = arith.constant 0 : i32
    %dma_start3A_35 = tpu.memref_slice %arg12[%dma_start3A_33, %dma_start3A_34] : memref<16x640xf32, #tpu.memory_space<vmem>> -> memref<1x640xf32, #tpu.memory_space<vmem>>
    %dma_start3A_36 = tpu.memref_squeeze %dma_start3A_35 : memref<1x640xf32, #tpu.memory_space<vmem>> -> memref<640xf32, #tpu.memory_space<vmem>>
    %dma_start3A_37 = tpu.memref_slice %arg13[%dma_start3A_32, %mul3A_31] : memref<16x10240xf32, #tpu.memory_space<vmem_shared>> -> memref<1x640xf32, #tpu.memory_space<vmem_shared>>
    %dma_start3A_38 = tpu.memref_squeeze %dma_start3A_37 : memref<1x640xf32, #tpu.memory_space<vmem_shared>> -> memref<640xf32, #tpu.memory_space<vmem_shared>>
    %dma_start3A_39 = arith.constant 0 : i32
    %dma_start3A_40 = tpu.memref_slice %arg12[%dma_start3A_33, %dma_start3A_39] : memref<16x640xf32, #tpu.memory_space<vmem>> -> memref<1x640xf32, #tpu.memory_space<vmem>>
    %dma_start3A_41 = tpu.memref_squeeze %dma_start3A_40 : memref<1x640xf32, #tpu.memory_space<vmem>> -> memref<640xf32, #tpu.memory_space<vmem>>
    %dma_start3A_42 = tpu.memref_slice %arg13[%dma_start3A_32, %mul3A_31] : memref<16x10240xf32, #tpu.memory_space<vmem_shared>> -> memref<1x640xf32, #tpu.memory_space<vmem_shared>>
    %dma_start3A_43 = tpu.memref_squeeze %dma_start3A_42 : memref<1x640xf32, #tpu.memory_space<vmem_shared>> -> memref<640xf32, #tpu.memory_space<vmem_shared>>
    tpu.enqueue_dma source(%dma_start3A_43 : memref<640xf32, #tpu.memory_space<vmem_shared>>) target(%dma_start3A_41 : memref<640xf32, #tpu.memory_space<vmem>>) target_semaphore(%arg15 : memref<!tpu.dma_semaphore, #tpu.memory_space<semaphore_mem>>)
    %mul3A_44 = arith.constant 640 : i32
    %mul3A_45 = arith.muli %arg1, %mul3A_44 : i32
    %dma_start3A_46 = arith.constant 1 : i32
    %dma_start3A_47 = arith.constant 1 : i32
    %dma_start3A_48 = arith.constant 0 : i32
    %dma_start3A_49 = tpu.memref_slice %arg12[%dma_start3A_47, %dma_start3A_48] : memref<16x640xf32, #tpu.memory_space<vmem>> -> memref<1x640xf32, #tpu.memory_space<vmem>>
    %dma_start3A_50 = tpu.memref_squeeze %dma_start3A_49 : memref<1x640xf32, #tpu.memory_space<vmem>> -> memref<640xf32, #tpu.memory_space<vmem>>
    %dma_start3A_51 = tpu.memref_slice %arg13[%dma_start3A_46, %mul3A_45] : memref<16x10240xf32, #tpu.memory_space<vmem_shared>> -> memref<1x640xf32, #tpu.memory_space<vmem_shared>>
    %dma_start3A_52 = tpu.memref_squeeze %dma_start3A_51 : memref<1x640xf32, #tpu.memory_space<vmem_shared>> -> memref<640xf32, #tpu.memory_space<vmem_shared>>
    %dma_start3A_53 = arith.constant 0 : i32
    %dma_start3A_54 = tpu.memref_slice %arg12[%dma_start3A_47, %dma_start3A_53] : memref<16x640xf32, #tpu.memory_space<vmem>> -> memref<1x640xf32, #tpu.memory_space<vmem>>
    %dma_start3A_55 = tpu.memref_squeeze %dma_start3A_54 : memref<1x640xf32, #tpu.memory_space<vmem>> -> memref<640xf32, #tpu.memory_space<vmem>>
    %dma_start3A_56 = tpu.memref_slice %arg13[%dma_start3A_46, %mul3A_45] : memref<16x10240xf32, #tpu.memory_space<vmem_shared>> -> memref<1x640xf32, #tpu.memory_space<vmem_shared>>
    %dma_start3A_57 = tpu.memref_squeeze %dma_start3A_56 : memref<1x640xf32, #tpu.memory_space<vmem_shared>> -> memref<640xf32, #tpu.memory_space<vmem_shared>>
    tpu.enqueue_dma source(%dma_start3A_57 : memref<640xf32, #tpu.memory_space<vmem_shared>>) target(%dma_start3A_55 : memref<640xf32, #tpu.memory_space<vmem>>) target_semaphore(%arg15 : memref<!tpu.dma_semaphore, #tpu.memory_space<semaphore_mem>>)
    %mul3A_58 = arith.constant 640 : i32
    %mul3A_59 = arith.muli %arg1, %mul3A_58 : i32
    %dma_start3A_60 = arith.constant 2 : i32
    %dma_start3A_61 = arith.constant 2 : i32
    %dma_start3A_62 = arith.constant 0 : i32
    %dma_start3A_63 = tpu.memref_slice %arg12[%dma_start3A_61, %dma_start3A_62] : memref<16x640xf32, #tpu.memory_space<vmem>> -> memref<1x640xf32, #tpu.memory_space<vmem>>
    %dma_start3A_64 = tpu.memref_squeeze %dma_start3A_63 : memref<1x640xf32, #tpu.memory_space<vmem>> -> memref<640xf32, #tpu.memory_space<vmem>>
    %dma_start3A_65 = tpu.memref_slice %arg13[%dma_start3A_60, %mul3A_59] : memref<16x10240xf32, #tpu.memory_space<vmem_shared>> -> memref<1x640xf32, #tpu.memory_space<vmem_shared>>
    %dma_start3A_66 = tpu.memref_squeeze %dma_start3A_65 : memref<1x640xf32, #tpu.memory_space<vmem_shared>> -> memref<640xf32, #tpu.memory_space<vmem_shared>>
    %dma_start3A_67 = arith.constant 0 : i32
    %dma_start3A_68 = tpu.memref_slice %arg12[%dma_start3A_61, %dma_start3A_67] : memref<16x640xf32, #tpu.memory_space<vmem>> -> memref<1x640xf32, #tpu.memory_space<vmem>>
    %dma_start3A_69 = tpu.memref_squeeze %dma_start3A_68 : memref<1x640xf32, #tpu.memory_space<vmem>> -> memref<640xf32, #tpu.memory_space<vmem>>
    %dma_start3A_70 = tpu.memref_slice %arg13[%dma_start3A_60, %mul3A_59] : memref<16x10240xf32, #tpu.memory_space<vmem_shared>> -> memref<1x640xf32, #tpu.memory_space<vmem_shared>>
    %dma_start3A_71 = tpu.memref_squeeze %dma_start3A_70 : memref<1x640xf32, #tpu.memory_space<vmem_shared>> -> memref<640xf32, #tpu.memory_space<vmem_shared>>
    tpu.enqueue_dma source(%dma_start3A_71 : memref<640xf32, #tpu.memory_space<vmem_shared>>) target(%dma_start3A_69 : memref<640xf32, #tpu.memory_space<vmem>>) target_semaphore(%arg15 : memref<!tpu.dma_semaphore, #tpu.memory_space<semaphore_mem>>)
    %mul3A_72 = arith.constant 640 : i32
    %mul3A_73 = arith.muli %arg1, %mul3A_72 : i32
    %dma_start3A_74 = arith.constant 3 : i32
    %dma_start3A_75 = arith.constant 3 : i32
    %dma_start3A_76 = arith.constant 0 : i32
    %dma_start3A_77 = tpu.memref_slice %arg12[%dma_start3A_75, %dma_start3A_76] : memref<16x640xf32, #tpu.memory_space<vmem>> -> memref<1x640xf32, #tpu.memory_space<vmem>>
    %dma_start3A_78 = tpu.memref_squeeze %dma_start3A_77 : memref<1x640xf32, #tpu.memory_space<vmem>> -> memref<640xf32, #tpu.memory_space<vmem>>
    %dma_start3A_79 = tpu.memref_slice %arg13[%dma_start3A_74, %mul3A_73] : memref<16x10240xf32, #tpu.memory_space<vmem_shared>> -> memref<1x640xf32, #tpu.memory_space<vmem_shared>>
    %dma_start3A_80 = tpu.memref_squeeze %dma_start3A_79 : memref<1x640xf32, #tpu.memory_space<vmem_shared>> -> memref<640xf32, #tpu.memory_space<vmem_shared>>
    %dma_start3A_81 = arith.constant 0 : i32
    %dma_start3A_82 = tpu.memref_slice %arg12[%dma_start3A_75, %dma_start3A_81] : memref<16x640xf32, #tpu.memory_space<vmem>> -> memref<1x640xf32, #tpu.memory_space<vmem>>
    %dma_start3A_83 = tpu.memref_squeeze %dma_start3A_82 : memref<1x640xf32, #tpu.memory_space<vmem>> -> memref<640xf32, #tpu.memory_space<vmem>>
    %dma_start3A_84 = tpu.memref_slice %arg13[%dma_start3A_74, %mul3A_73] : memref<16x10240xf32, #tpu.memory_space<vmem_shared>> -> memref<1x640xf32, #tpu.memory_space<vmem_shared>>
    %dma_start3A_85 = tpu.memref_squeeze %dma_start3A_84 : memref<1x640xf32, #tpu.memory_space<vmem_shared>> -> memref<640xf32, #tpu.memory_space<vmem_shared>>
    tpu.enqueue_dma source(%dma_start3A_85 : memref<640xf32, #tpu.memory_space<vmem_shared>>) target(%dma_start3A_83 : memref<640xf32, #tpu.memory_space<vmem>>) target_semaphore(%arg15 : memref<!tpu.dma_semaphore, #tpu.memory_space<semaphore_mem>>)
    %mul3A_86 = arith.constant 640 : i32
    %mul3A_87 = arith.muli %arg1, %mul3A_86 : i32
    %dma_start3A_88 = arith.constant 4 : i32
    %dma_start3A_89 = arith.constant 4 : i32
    %dma_start3A_90 = arith.constant 0 : i32
    %dma_start3A_91 = tpu.memref_slice %arg12[%dma_start3A_89, %dma_start3A_90] : memref<16x640xf32, #tpu.memory_space<vmem>> -> memref<1x640xf32, #tpu.memory_space<vmem>>
    %dma_start3A_92 = tpu.memref_squeeze %dma_start3A_91 : memref<1x640xf32, #tpu.memory_space<vmem>> -> memref<640xf32, #tpu.memory_space<vmem>>
    %dma_start3A_93 = tpu.memref_slice %arg13[%dma_start3A_88, %mul3A_87] : memref<16x10240xf32, #tpu.memory_space<vmem_shared>> -> memref<1x640xf32, #tpu.memory_space<vmem_shared>>
    %dma_start3A_94 = tpu.memref_squeeze %dma_start3A_93 : memref<1x640xf32, #tpu.memory_space<vmem_shared>> -> memref<640xf32, #tpu.memory_space<vmem_shared>>
    %dma_start3A_95 = arith.constant 0 : i32
    %dma_start3A_96 = tpu.memref_slice %arg12[%dma_start3A_89, %dma_start3A_95] : memref<16x640xf32, #tpu.memory_space<vmem>> -> memref<1x640xf32, #tpu.memory_space<vmem>>
    %dma_start3A_97 = tpu.memref_squeeze %dma_start3A_96 : memref<1x640xf32, #tpu.memory_space<vmem>> -> memref<640xf32, #tpu.memory_space<vmem>>
    %dma_start3A_98 = tpu.memref_slice %arg13[%dma_start3A_88, %mul3A_87] : memref<16x10240xf32, #tpu.memory_space<vmem_shared>> -> memref<1x640xf32, #tpu.memory_space<vmem_shared>>
    %dma_start3A_99 = tpu.memref_squeeze %dma_start3A_98 : memref<1x640xf32, #tpu.memory_space<vmem_shared>> -> memref<640xf32, #tpu.memory_space<vmem_shared>>
    tpu.enqueue_dma source(%dma_start3A_99 : memref<640xf32, #tpu.memory_space<vmem_shared>>) target(%dma_start3A_97 : memref<640xf32, #tpu.memory_space<vmem>>) target_semaphore(%arg15 : memref<!tpu.dma_semaphore, #tpu.memory_space<semaphore_mem>>)
    %mul3A_100 = arith.constant 640 : i32
    %mul3A_101 = arith.muli %arg1, %mul3A_100 : i32
    %dma_start3A_102 = arith.constant 5 : i32
    %dma_start3A_103 = arith.constant 5 : i32
    %dma_start3A_104 = arith.constant 0 : i32
    %dma_start3A_105 = tpu.memref_slice %arg12[%dma_start3A_103, %dma_start3A_104] : memref<16x640xf32, #tpu.memory_space<vmem>> -> memref<1x640xf32, #tpu.memory_space<vmem>>
    %dma_start3A_106 = tpu.memref_squeeze %dma_start3A_105 : memref<1x640xf32, #tpu.memory_space<vmem>> -> memref<640xf32, #tpu.memory_space<vmem>>
    %dma_start3A_107 = tpu.memref_slice %arg13[%dma_start3A_102, %mul3A_101] : memref<16x10240xf32, #tpu.memory_space<vmem_shared>> -> memref<1x640xf32, #tpu.memory_space<vmem_shared>>
    %dma_start3A_108 = tpu.memref_squeeze %dma_start3A_107 : memref<1x640xf32, #tpu.memory_space<vmem_shared>> -> memref<640xf32, #tpu.memory_space<vmem_shared>>
    %dma_start3A_109 = arith.constant 0 : i32
    %dma_start3A_110 = tpu.memref_slice %arg12[%dma_start3A_103, %dma_start3A_109] : memref<16x640xf32, #tpu.memory_space<vmem>> -> memref<1x640xf32, #tpu.memory_space<vmem>>
    %dma_start3A_111 = tpu.memref_squeeze %dma_start3A_110 : memref<1x640xf32, #tpu.memory_space<vmem>> -> memref<640xf32, #tpu.memory_space<vmem>>
    %dma_start3A_112 = tpu.memref_slice %arg13[%dma_start3A_102, %mul3A_101] : memref<16x10240xf32, #tpu.memory_space<vmem_shared>> -> memref<1x640xf32, #tpu.memory_space<vmem_shared>>
    %dma_start3A_113 = tpu.memref_squeeze %dma_start3A_112 : memref<1x640xf32, #tpu.memory_space<vmem_shared>> -> memref<640xf32, #tpu.memory_space<vmem_shared>>
    tpu.enqueue_dma source(%dma_start3A_113 : memref<640xf32, #tpu.memory_space<vmem_shared>>) target(%dma_start3A_111 : memref<640xf32, #tpu.memory_space<vmem>>) target_semaphore(%arg15 : memref<!tpu.dma_semaphore, #tpu.memory_space<semaphore_mem>>)
    %mul3A_114 = arith.constant 640 : i32
    %mul3A_115 = arith.muli %arg1, %mul3A_114 : i32
    %dma_start3A_116 = arith.constant 6 : i32
    %dma_start3A_117 = arith.constant 6 : i32
    %dma_start3A_118 = arith.constant 0 : i32
    %dma_start3A_119 = tpu.memref_slice %arg12[%dma_start3A_117, %dma_start3A_118] : memref<16x640xf32, #tpu.memory_space<vmem>> -> memref<1x640xf32, #tpu.memory_space<vmem>>
    %dma_start3A_120 = tpu.memref_squeeze %dma_start3A_119 : memref<1x640xf32, #tpu.memory_space<vmem>> -> memref<640xf32, #tpu.memory_space<vmem>>
    %dma_start3A_121 = tpu.memref_slice %arg13[%dma_start3A_116, %mul3A_115] : memref<16x10240xf32, #tpu.memory_space<vmem_shared>> -> memref<1x640xf32, #tpu.memory_space<vmem_shared>>
    %dma_start3A_122 = tpu.memref_squeeze %dma_start3A_121 : memref<1x640xf32, #tpu.memory_space<vmem_shared>> -> memref<640xf32, #tpu.memory_space<vmem_shared>>
    %dma_start3A_123 = arith.constant 0 : i32
    %dma_start3A_124 = tpu.memref_slice %arg12[%dma_start3A_117, %dma_start3A_123] : memref<16x640xf32, #tpu.memory_space<vmem>> -> memref<1x640xf32, #tpu.memory_space<vmem>>
    %dma_start3A_125 = tpu.memref_squeeze %dma_start3A_124 : memref<1x640xf32, #tpu.memory_space<vmem>> -> memref<640xf32, #tpu.memory_space<vmem>>
    %dma_start3A_126 = tpu.memref_slice %arg13[%dma_start3A_116, %mul3A_115] : memref<16x10240xf32, #tpu.memory_space<vmem_shared>> -> memref<1x640xf32, #tpu.memory_space<vmem_shared>>
    %dma_start3A_127 = tpu.memref_squeeze %dma_start3A_126 : memref<1x640xf32, #tpu.memory_space<vmem_shared>> -> memref<640xf32, #tpu.memory_space<vmem_shared>>
    tpu.enqueue_dma source(%dma_start3A_127 : memref<640xf32, #tpu.memory_space<vmem_shared>>) target(%dma_start3A_125 : memref<640xf32, #tpu.memory_space<vmem>>) target_semaphore(%arg15 : memref<!tpu.dma_semaphore, #tpu.memory_space<semaphore_mem>>)
    %mul3A_128 = arith.constant 640 : i32
    %mul3A_129 = arith.muli %arg1, %mul3A_128 : i32
    %dma_start3A_130 = arith.constant 7 : i32
    %dma_start3A_131 = arith.constant 7 : i32
    %dma_start3A_132 = arith.constant 0 : i32
    %dma_start3A_133 = tpu.memref_slice %arg12[%dma_start3A_131, %dma_start3A_132] : memref<16x640xf32, #tpu.memory_space<vmem>> -> memref<1x640xf32, #tpu.memory_space<vmem>>
    %dma_start3A_134 = tpu.memref_squeeze %dma_start3A_133 : memref<1x640xf32, #tpu.memory_space<vmem>> -> memref<640xf32, #tpu.memory_space<vmem>>
    %dma_start3A_135 = tpu.memref_slice %arg13[%dma_start3A_130, %mul3A_129] : memref<16x10240xf32, #tpu.memory_space<vmem_shared>> -> memref<1x640xf32, #tpu.memory_space<vmem_shared>>
    %dma_start3A_136 = tpu.memref_squeeze %dma_start3A_135 : memref<1x640xf32, #tpu.memory_space<vmem_shared>> -> memref<640xf32, #tpu.memory_space<vmem_shared>>
    %dma_start3A_137 = arith.constant 0 : i32
    %dma_start3A_138 = tpu.memref_slice %arg12[%dma_start3A_131, %dma_start3A_137] : memref<16x640xf32, #tpu.memory_space<vmem>> -> memref<1x640xf32, #tpu.memory_space<vmem>>
    %dma_start3A_139 = tpu.memref_squeeze %dma_start3A_138 : memref<1x640xf32, #tpu.memory_space<vmem>> -> memref<640xf32, #tpu.memory_space<vmem>>
    %dma_start3A_140 = tpu.memref_slice %arg13[%dma_start3A_130, %mul3A_129] : memref<16x10240xf32, #tpu.memory_space<vmem_shared>> -> memref<1x640xf32, #tpu.memory_space<vmem_shared>>
    %dma_start3A_141 = tpu.memref_squeeze %dma_start3A_140 : memref<1x640xf32, #tpu.memory_space<vmem_shared>> -> memref<640xf32, #tpu.memory_space<vmem_shared>>
    tpu.enqueue_dma source(%dma_start3A_141 : memref<640xf32, #tpu.memory_space<vmem_shared>>) target(%dma_start3A_139 : memref<640xf32, #tpu.memory_space<vmem>>) target_semaphore(%arg15 : memref<!tpu.dma_semaphore, #tpu.memory_space<semaphore_mem>>)
    %mul3A_142 = arith.constant 640 : i32
    %mul3A_143 = arith.muli %arg1, %mul3A_142 : i32
    %dma_start3A_144 = arith.constant 8 : i32
    %dma_start3A_145 = arith.constant 8 : i32
    %dma_start3A_146 = arith.constant 0 : i32
    %dma_start3A_147 = tpu.memref_slice %arg12[%dma_start3A_145, %dma_start3A_146] : memref<16x640xf32, #tpu.memory_space<vmem>> -> memref<1x640xf32, #tpu.memory_space<vmem>>
    %dma_start3A_148 = tpu.memref_squeeze %dma_start3A_147 : memref<1x640xf32, #tpu.memory_space<vmem>> -> memref<640xf32, #tpu.memory_space<vmem>>
    %dma_start3A_149 = tpu.memref_slice %arg13[%dma_start3A_144, %mul3A_143] : memref<16x10240xf32, #tpu.memory_space<vmem_shared>> -> memref<1x640xf32, #tpu.memory_space<vmem_shared>>
    %dma_start3A_150 = tpu.memref_squeeze %dma_start3A_149 : memref<1x640xf32, #tpu.memory_space<vmem_shared>> -> memref<640xf32, #tpu.memory_space<vmem_shared>>
    %dma_start3A_151 = arith.constant 0 : i32
    %dma_start3A_152 = tpu.memref_slice %arg12[%dma_start3A_145, %dma_start3A_151] : memref<16x640xf32, #tpu.memory_space<vmem>> -> memref<1x640xf32, #tpu.memory_space<vmem>>
    %dma_start3A_153 = tpu.memref_squeeze %dma_start3A_152 : memref<1x640xf32, #tpu.memory_space<vmem>> -> memref<640xf32, #tpu.memory_space<vmem>>
    %dma_start3A_154 = tpu.memref_slice %arg13[%dma_start3A_144, %mul3A_143] : memref<16x10240xf32, #tpu.memory_space<vmem_shared>> -> memref<1x640xf32, #tpu.memory_space<vmem_shared>>
    %dma_start3A_155 = tpu.memref_squeeze %dma_start3A_154 : memref<1x640xf32, #tpu.memory_space<vmem_shared>> -> memref<640xf32, #tpu.memory_space<vmem_shared>>
    tpu.enqueue_dma source(%dma_start3A_155 : memref<640xf32, #tpu.memory_space<vmem_shared>>) target(%dma_start3A_153 : memref<640xf32, #tpu.memory_space<vmem>>) target_semaphore(%arg15 : memref<!tpu.dma_semaphore, #tpu.memory_space<semaphore_mem>>)
    %mul3A_156 = arith.constant 640 : i32
    %mul3A_157 = arith.muli %arg1, %mul3A_156 : i32
    %dma_start3A_158 = arith.constant 9 : i32
    %dma_start3A_159 = arith.constant 9 : i32
    %dma_start3A_160 = arith.constant 0 : i32
    %dma_start3A_161 = tpu.memref_slice %arg12[%dma_start3A_159, %dma_start3A_160] : memref<16x640xf32, #tpu.memory_space<vmem>> -> memref<1x640xf32, #tpu.memory_space<vmem>>
    %dma_start3A_162 = tpu.memref_squeeze %dma_start3A_161 : memref<1x640xf32, #tpu.memory_space<vmem>> -> memref<640xf32, #tpu.memory_space<vmem>>
    %dma_start3A_163 = tpu.memref_slice %arg13[%dma_start3A_158, %mul3A_157] : memref<16x10240xf32, #tpu.memory_space<vmem_shared>> -> memref<1x640xf32, #tpu.memory_space<vmem_shared>>
    %dma_start3A_164 = tpu.memref_squeeze %dma_start3A_163 : memref<1x640xf32, #tpu.memory_space<vmem_shared>> -> memref<640xf32, #tpu.memory_space<vmem_shared>>
    %dma_start3A_165 = arith.constant 0 : i32
    %dma_start3A_166 = tpu.memref_slice %arg12[%dma_start3A_159, %dma_start3A_165] : memref<16x640xf32, #tpu.memory_space<vmem>> -> memref<1x640xf32, #tpu.memory_space<vmem>>
    %dma_start3A_167 = tpu.memref_squeeze %dma_start3A_166 : memref<1x640xf32, #tpu.memory_space<vmem>> -> memref<640xf32, #tpu.memory_space<vmem>>
    %dma_start3A_168 = tpu.memref_slice %arg13[%dma_start3A_158, %mul3A_157] : memref<16x10240xf32, #tpu.memory_space<vmem_shared>> -> memref<1x640xf32, #tpu.memory_space<vmem_shared>>
    %dma_start3A_169 = tpu.memref_squeeze %dma_start3A_168 : memref<1x640xf32, #tpu.memory_space<vmem_shared>> -> memref<640xf32, #tpu.memory_space<vmem_shared>>
    tpu.enqueue_dma source(%dma_start3A_169 : memref<640xf32, #tpu.memory_space<vmem_shared>>) target(%dma_start3A_167 : memref<640xf32, #tpu.memory_space<vmem>>) target_semaphore(%arg15 : memref<!tpu.dma_semaphore, #tpu.memory_space<semaphore_mem>>)
    %mul3A_170 = arith.constant 640 : i32
    %mul3A_171 = arith.muli %arg1, %mul3A_170 : i32
    %dma_start3A_172 = arith.constant 10 : i32
    %dma_start3A_173 = arith.constant 10 : i32
    %dma_start3A_174 = arith.constant 0 : i32
    %dma_start3A_175 = tpu.memref_slice %arg12[%dma_start3A_173, %dma_start3A_174] : memref<16x640xf32, #tpu.memory_space<vmem>> -> memref<1x640xf32, #tpu.memory_space<vmem>>
    %dma_start3A_176 = tpu.memref_squeeze %dma_start3A_175 : memref<1x640xf32, #tpu.memory_space<vmem>> -> memref<640xf32, #tpu.memory_space<vmem>>
    %dma_start3A_177 = tpu.memref_slice %arg13[%dma_start3A_172, %mul3A_171] : memref<16x10240xf32, #tpu.memory_space<vmem_shared>> -> memref<1x640xf32, #tpu.memory_space<vmem_shared>>
    %dma_start3A_178 = tpu.memref_squeeze %dma_start3A_177 : memref<1x640xf32, #tpu.memory_space<vmem_shared>> -> memref<640xf32, #tpu.memory_space<vmem_shared>>
    %dma_start3A_179 = arith.constant 0 : i32
    %dma_start3A_180 = tpu.memref_slice %arg12[%dma_start3A_173, %dma_start3A_179] : memref<16x640xf32, #tpu.memory_space<vmem>> -> memref<1x640xf32, #tpu.memory_space<vmem>>
    %dma_start3A_181 = tpu.memref_squeeze %dma_start3A_180 : memref<1x640xf32, #tpu.memory_space<vmem>> -> memref<640xf32, #tpu.memory_space<vmem>>
    %dma_start3A_182 = tpu.memref_slice %arg13[%dma_start3A_172, %mul3A_171] : memref<16x10240xf32, #tpu.memory_space<vmem_shared>> -> memref<1x640xf32, #tpu.memory_space<vmem_shared>>
    %dma_start3A_183 = tpu.memref_squeeze %dma_start3A_182 : memref<1x640xf32, #tpu.memory_space<vmem_shared>> -> memref<640xf32, #tpu.memory_space<vmem_shared>>
    tpu.enqueue_dma source(%dma_start3A_183 : memref<640xf32, #tpu.memory_space<vmem_shared>>) target(%dma_start3A_181 : memref<640xf32, #tpu.memory_space<vmem>>) target_semaphore(%arg15 : memref<!tpu.dma_semaphore, #tpu.memory_space<semaphore_mem>>)
    %mul3A_184 = arith.constant 640 : i32
    %mul3A_185 = arith.muli %arg1, %mul3A_184 : i32
    %dma_start3A_186 = arith.constant 11 : i32
    %dma_start3A_187 = arith.constant 11 : i32
    %dma_start3A_188 = arith.constant 0 : i32
    %dma_start3A_189 = tpu.memref_slice %arg12[%dma_start3A_187, %dma_start3A_188] : memref<16x640xf32, #tpu.memory_space<vmem>> -> memref<1x640xf32, #tpu.memory_space<vmem>>
    %dma_start3A_190 = tpu.memref_squeeze %dma_start3A_189 : memref<1x640xf32, #tpu.memory_space<vmem>> -> memref<640xf32, #tpu.memory_space<vmem>>
    %dma_start3A_191 = tpu.memref_slice %arg13[%dma_start3A_186, %mul3A_185] : memref<16x10240xf32, #tpu.memory_space<vmem_shared>> -> memref<1x640xf32, #tpu.memory_space<vmem_shared>>
    %dma_start3A_192 = tpu.memref_squeeze %dma_start3A_191 : memref<1x640xf32, #tpu.memory_space<vmem_shared>> -> memref<640xf32, #tpu.memory_space<vmem_shared>>
    %dma_start3A_193 = arith.constant 0 : i32
    %dma_start3A_194 = tpu.memref_slice %arg12[%dma_start3A_187, %dma_start3A_193] : memref<16x640xf32, #tpu.memory_space<vmem>> -> memref<1x640xf32, #tpu.memory_space<vmem>>
    %dma_start3A_195 = tpu.memref_squeeze %dma_start3A_194 : memref<1x640xf32, #tpu.memory_space<vmem>> -> memref<640xf32, #tpu.memory_space<vmem>>
    %dma_start3A_196 = tpu.memref_slice %arg13[%dma_start3A_186, %mul3A_185] : memref<16x10240xf32, #tpu.memory_space<vmem_shared>> -> memref<1x640xf32, #tpu.memory_space<vmem_shared>>
    %dma_start3A_197 = tpu.memref_squeeze %dma_start3A_196 : memref<1x640xf32, #tpu.memory_space<vmem_shared>> -> memref<640xf32, #tpu.memory_space<vmem_shared>>
    tpu.enqueue_dma source(%dma_start3A_197 : memref<640xf32, #tpu.memory_space<vmem_shared>>) target(%dma_start3A_195 : memref<640xf32, #tpu.memory_space<vmem>>) target_semaphore(%arg15 : memref<!tpu.dma_semaphore, #tpu.memory_space<semaphore_mem>>)
    %mul3A_198 = arith.constant 640 : i32
    %mul3A_199 = arith.muli %arg1, %mul3A_198 : i32
    %dma_start3A_200 = arith.constant 12 : i32
    %dma_start3A_201 = arith.constant 12 : i32
    %dma_start3A_202 = arith.constant 0 : i32
    %dma_start3A_203 = tpu.memref_slice %arg12[%dma_start3A_201, %dma_start3A_202] : memref<16x640xf32, #tpu.memory_space<vmem>> -> memref<1x640xf32, #tpu.memory_space<vmem>>
    %dma_start3A_204 = tpu.memref_squeeze %dma_start3A_203 : memref<1x640xf32, #tpu.memory_space<vmem>> -> memref<640xf32, #tpu.memory_space<vmem>>
    %dma_start3A_205 = tpu.memref_slice %arg13[%dma_start3A_200, %mul3A_199] : memref<16x10240xf32, #tpu.memory_space<vmem_shared>> -> memref<1x640xf32, #tpu.memory_space<vmem_shared>>
    %dma_start3A_206 = tpu.memref_squeeze %dma_start3A_205 : memref<1x640xf32, #tpu.memory_space<vmem_shared>> -> memref<640xf32, #tpu.memory_space<vmem_shared>>
    %dma_start3A_207 = arith.constant 0 : i32
    %dma_start3A_208 = tpu.memref_slice %arg12[%dma_start3A_201, %dma_start3A_207] : memref<16x640xf32, #tpu.memory_space<vmem>> -> memref<1x640xf32, #tpu.memory_space<vmem>>
    %dma_start3A_209 = tpu.memref_squeeze %dma_start3A_208 : memref<1x640xf32, #tpu.memory_space<vmem>> -> memref<640xf32, #tpu.memory_space<vmem>>
    %dma_start3A_210 = tpu.memref_slice %arg13[%dma_start3A_200, %mul3A_199] : memref<16x10240xf32, #tpu.memory_space<vmem_shared>> -> memref<1x640xf32, #tpu.memory_space<vmem_shared>>
    %dma_start3A_211 = tpu.memref_squeeze %dma_start3A_210 : memref<1x640xf32, #tpu.memory_space<vmem_shared>> -> memref<640xf32, #tpu.memory_space<vmem_shared>>
    tpu.enqueue_dma source(%dma_start3A_211 : memref<640xf32, #tpu.memory_space<vmem_shared>>) target(%dma_start3A_209 : memref<640xf32, #tpu.memory_space<vmem>>) target_semaphore(%arg15 : memref<!tpu.dma_semaphore, #tpu.memory_space<semaphore_mem>>)
    %mul3A_212 = arith.constant 640 : i32
    %mul3A_213 = arith.muli %arg1, %mul3A_212 : i32
    %dma_start3A_214 = arith.constant 13 : i32
    %dma_start3A_215 = arith.constant 13 : i32
    %dma_start3A_216 = arith.constant 0 : i32
    %dma_start3A_217 = tpu.memref_slice %arg12[%dma_start3A_215, %dma_start3A_216] : memref<16x640xf32, #tpu.memory_space<vmem>> -> memref<1x640xf32, #tpu.memory_space<vmem>>
    %dma_start3A_218 = tpu.memref_squeeze %dma_start3A_217 : memref<1x640xf32, #tpu.memory_space<vmem>> -> memref<640xf32, #tpu.memory_space<vmem>>
    %dma_start3A_219 = tpu.memref_slice %arg13[%dma_start3A_214, %mul3A_213] : memref<16x10240xf32, #tpu.memory_space<vmem_shared>> -> memref<1x640xf32, #tpu.memory_space<vmem_shared>>
    %dma_start3A_220 = tpu.memref_squeeze %dma_start3A_219 : memref<1x640xf32, #tpu.memory_space<vmem_shared>> -> memref<640xf32, #tpu.memory_space<vmem_shared>>
    %dma_start3A_221 = arith.constant 0 : i32
    %dma_start3A_222 = tpu.memref_slice %arg12[%dma_start3A_215, %dma_start3A_221] : memref<16x640xf32, #tpu.memory_space<vmem>> -> memref<1x640xf32, #tpu.memory_space<vmem>>
    %dma_start3A_223 = tpu.memref_squeeze %dma_start3A_222 : memref<1x640xf32, #tpu.memory_space<vmem>> -> memref<640xf32, #tpu.memory_space<vmem>>
    %dma_start3A_224 = tpu.memref_slice %arg13[%dma_start3A_214, %mul3A_213] : memref<16x10240xf32, #tpu.memory_space<vmem_shared>> -> memref<1x640xf32, #tpu.memory_space<vmem_shared>>
    %dma_start3A_225 = tpu.memref_squeeze %dma_start3A_224 : memref<1x640xf32, #tpu.memory_space<vmem_shared>> -> memref<640xf32, #tpu.memory_space<vmem_shared>>
    tpu.enqueue_dma source(%dma_start3A_225 : memref<640xf32, #tpu.memory_space<vmem_shared>>) target(%dma_start3A_223 : memref<640xf32, #tpu.memory_space<vmem>>) target_semaphore(%arg15 : memref<!tpu.dma_semaphore, #tpu.memory_space<semaphore_mem>>)
    %mul3A_226 = arith.constant 640 : i32
    %mul3A_227 = arith.muli %arg1, %mul3A_226 : i32
    %dma_start3A_228 = arith.constant 14 : i32
    %dma_start3A_229 = arith.constant 14 : i32
    %dma_start3A_230 = arith.constant 0 : i32
    %dma_start3A_231 = tpu.memref_slice %arg12[%dma_start3A_229, %dma_start3A_230] : memref<16x640xf32, #tpu.memory_space<vmem>> -> memref<1x640xf32, #tpu.memory_space<vmem>>
    %dma_start3A_232 = tpu.memref_squeeze %dma_start3A_231 : memref<1x640xf32, #tpu.memory_space<vmem>> -> memref<640xf32, #tpu.memory_space<vmem>>
    %dma_start3A_233 = tpu.memref_slice %arg13[%dma_start3A_228, %mul3A_227] : memref<16x10240xf32, #tpu.memory_space<vmem_shared>> -> memref<1x640xf32, #tpu.memory_space<vmem_shared>>
    %dma_start3A_234 = tpu.memref_squeeze %dma_start3A_233 : memref<1x640xf32, #tpu.memory_space<vmem_shared>> -> memref<640xf32, #tpu.memory_space<vmem_shared>>
    %dma_start3A_235 = arith.constant 0 : i32
    %dma_start3A_236 = tpu.memref_slice %arg12[%dma_start3A_229, %dma_start3A_235] : memref<16x640xf32, #tpu.memory_space<vmem>> -> memref<1x640xf32, #tpu.memory_space<vmem>>
    %dma_start3A_237 = tpu.memref_squeeze %dma_start3A_236 : memref<1x640xf32, #tpu.memory_space<vmem>> -> memref<640xf32, #tpu.memory_space<vmem>>
    %dma_start3A_238 = tpu.memref_slice %arg13[%dma_start3A_228, %mul3A_227] : memref<16x10240xf32, #tpu.memory_space<vmem_shared>> -> memref<1x640xf32, #tpu.memory_space<vmem_shared>>
    %dma_start3A_239 = tpu.memref_squeeze %dma_start3A_238 : memref<1x640xf32, #tpu.memory_space<vmem_shared>> -> memref<640xf32, #tpu.memory_space<vmem_shared>>
    tpu.enqueue_dma source(%dma_start3A_239 : memref<640xf32, #tpu.memory_space<vmem_shared>>) target(%dma_start3A_237 : memref<640xf32, #tpu.memory_space<vmem>>) target_semaphore(%arg15 : memref<!tpu.dma_semaphore, #tpu.memory_space<semaphore_mem>>)
    %mul3A_240 = arith.constant 640 : i32
    %mul3A_241 = arith.muli %arg1, %mul3A_240 : i32
    %dma_start3A_242 = arith.constant 15 : i32
    %dma_start3A_243 = arith.constant 15 : i32
    %dma_start3A_244 = arith.constant 0 : i32
    %dma_start3A_245 = tpu.memref_slice %arg12[%dma_start3A_243, %dma_start3A_244] : memref<16x640xf32, #tpu.memory_space<vmem>> -> memref<1x640xf32, #tpu.memory_space<vmem>>
    %dma_start3A_246 = tpu.memref_squeeze %dma_start3A_245 : memref<1x640xf32, #tpu.memory_space<vmem>> -> memref<640xf32, #tpu.memory_space<vmem>>
    %dma_start3A_247 = tpu.memref_slice %arg13[%dma_start3A_242, %mul3A_241] : memref<16x10240xf32, #tpu.memory_space<vmem_shared>> -> memref<1x640xf32, #tpu.memory_space<vmem_shared>>
    %dma_start3A_248 = tpu.memref_squeeze %dma_start3A_247 : memref<1x640xf32, #tpu.memory_space<vmem_shared>> -> memref<640xf32, #tpu.memory_space<vmem_shared>>
    %dma_start3A_249 = arith.constant 0 : i32
    %dma_start3A_250 = tpu.memref_slice %arg12[%dma_start3A_243, %dma_start3A_249] : memref<16x640xf32, #tpu.memory_space<vmem>> -> memref<1x640xf32, #tpu.memory_space<vmem>>
    %dma_start3A_251 = tpu.memref_squeeze %dma_start3A_250 : memref<1x640xf32, #tpu.memory_space<vmem>> -> memref<640xf32, #tpu.memory_space<vmem>>
    %dma_start3A_252 = tpu.memref_slice %arg13[%dma_start3A_242, %mul3A_241] : memref<16x10240xf32, #tpu.memory_space<vmem_shared>> -> memref<1x640xf32, #tpu.memory_space<vmem_shared>>
    %dma_start3A_253 = tpu.memref_squeeze %dma_start3A_252 : memref<1x640xf32, #tpu.memory_space<vmem_shared>> -> memref<640xf32, #tpu.memory_space<vmem_shared>>
    tpu.enqueue_dma source(%dma_start3A_253 : memref<640xf32, #tpu.memory_space<vmem_shared>>) target(%dma_start3A_251 : memref<640xf32, #tpu.memory_space<vmem>>) target_semaphore(%arg15 : memref<!tpu.dma_semaphore, #tpu.memory_space<semaphore_mem>>)
    %mul3A_254 = arith.constant 640 : i32
    %mul3A_255 = arith.muli %arg1, %mul3A_254 : i32
    %dma_wait3A_256 = arith.constant 0 : i32
    %dma_wait3A_257 = arith.constant 0 : i32
    %dma_wait3A_258 = arith.constant 0 : i32
    %dma_wait3A_259 = tpu.memref_slice %arg12[%dma_wait3A_257, %dma_wait3A_258] : memref<16x640xf32, #tpu.memory_space<vmem>> -> memref<1x640xf32, #tpu.memory_space<vmem>>
    %dma_wait3A_260 = tpu.memref_squeeze %dma_wait3A_259 : memref<1x640xf32, #tpu.memory_space<vmem>> -> memref<640xf32, #tpu.memory_space<vmem>>
    %dma_wait3A_261 = tpu.memref_slice %arg13[%dma_wait3A_256, %mul3A_255] : memref<16x10240xf32, #tpu.memory_space<vmem_shared>> -> memref<1x640xf32, #tpu.memory_space<vmem_shared>>
    %dma_wait3A_262 = tpu.memref_squeeze %dma_wait3A_261 : memref<1x640xf32, #tpu.memory_space<vmem_shared>> -> memref<640xf32, #tpu.memory_space<vmem_shared>>
    %dma_wait3A_263 = arith.constant 0 : i32
    %dma_wait3A_264 = tpu.memref_slice %arg12[%dma_wait3A_257, %dma_wait3A_263] : memref<16x640xf32, #tpu.memory_space<vmem>> -> memref<1x640xf32, #tpu.memory_space<vmem>>
    %dma_wait3A_265 = tpu.memref_squeeze %dma_wait3A_264 : memref<1x640xf32, #tpu.memory_space<vmem>> -> memref<640xf32, #tpu.memory_space<vmem>>
    %dma_wait3A_266 = tpu.memref_slice %arg13[%dma_wait3A_256, %mul3A_255] : memref<16x10240xf32, #tpu.memory_space<vmem_shared>> -> memref<1x640xf32, #tpu.memory_space<vmem_shared>>
    %dma_wait3A_267 = tpu.memref_squeeze %dma_wait3A_266 : memref<1x640xf32, #tpu.memory_space<vmem_shared>> -> memref<640xf32, #tpu.memory_space<vmem_shared>>
    tpu.wait_dma2 semaphore(%arg15 : memref<!tpu.dma_semaphore, #tpu.memory_space<semaphore_mem>>) src(%dma_wait3A_267 : memref<640xf32, #tpu.memory_space<vmem_shared>>) dst(%dma_wait3A_265 : memref<640xf32, #tpu.memory_space<vmem>>)
    %mul3A_268 = arith.constant 640 : i32
    %mul3A_269 = arith.muli %arg1, %mul3A_268 : i32
    %dma_wait3A_270 = arith.constant 1 : i32
    %dma_wait3A_271 = arith.constant 1 : i32
    %dma_wait3A_272 = arith.constant 0 : i32
    %dma_wait3A_273 = tpu.memref_slice %arg12[%dma_wait3A_271, %dma_wait3A_272] : memref<16x640xf32, #tpu.memory_space<vmem>> -> memref<1x640xf32, #tpu.memory_space<vmem>>
    %dma_wait3A_274 = tpu.memref_squeeze %dma_wait3A_273 : memref<1x640xf32, #tpu.memory_space<vmem>> -> memref<640xf32, #tpu.memory_space<vmem>>
    %dma_wait3A_275 = tpu.memref_slice %arg13[%dma_wait3A_270, %mul3A_269] : memref<16x10240xf32, #tpu.memory_space<vmem_shared>> -> memref<1x640xf32, #tpu.memory_space<vmem_shared>>
    %dma_wait3A_276 = tpu.memref_squeeze %dma_wait3A_275 : memref<1x640xf32, #tpu.memory_space<vmem_shared>> -> memref<640xf32, #tpu.memory_space<vmem_shared>>
    %dma_wait3A_277 = arith.constant 0 : i32
    %dma_wait3A_278 = tpu.memref_slice %arg12[%dma_wait3A_271, %dma_wait3A_277] : memref<16x640xf32, #tpu.memory_space<vmem>> -> memref<1x640xf32, #tpu.memory_space<vmem>>
    %dma_wait3A_279 = tpu.memref_squeeze %dma_wait3A_278 : memref<1x640xf32, #tpu.memory_space<vmem>> -> memref<640xf32, #tpu.memory_space<vmem>>
    %dma_wait3A_280 = tpu.memref_slice %arg13[%dma_wait3A_270, %mul3A_269] : memref<16x10240xf32, #tpu.memory_space<vmem_shared>> -> memref<1x640xf32, #tpu.memory_space<vmem_shared>>
    %dma_wait3A_281 = tpu.memref_squeeze %dma_wait3A_280 : memref<1x640xf32, #tpu.memory_space<vmem_shared>> -> memref<640xf32, #tpu.memory_space<vmem_shared>>
    tpu.wait_dma2 semaphore(%arg15 : memref<!tpu.dma_semaphore, #tpu.memory_space<semaphore_mem>>) src(%dma_wait3A_281 : memref<640xf32, #tpu.memory_space<vmem_shared>>) dst(%dma_wait3A_279 : memref<640xf32, #tpu.memory_space<vmem>>)
    %mul3A_282 = arith.constant 640 : i32
    %mul3A_283 = arith.muli %arg1, %mul3A_282 : i32
    %dma_wait3A_284 = arith.constant 2 : i32
    %dma_wait3A_285 = arith.constant 2 : i32
    %dma_wait3A_286 = arith.constant 0 : i32
    %dma_wait3A_287 = tpu.memref_slice %arg12[%dma_wait3A_285, %dma_wait3A_286] : memref<16x640xf32, #tpu.memory_space<vmem>> -> memref<1x640xf32, #tpu.memory_space<vmem>>
    %dma_wait3A_288 = tpu.memref_squeeze %dma_wait3A_287 : memref<1x640xf32, #tpu.memory_space<vmem>> -> memref<640xf32, #tpu.memory_space<vmem>>
    %dma_wait3A_289 = tpu.memref_slice %arg13[%dma_wait3A_284, %mul3A_283] : memref<16x10240xf32, #tpu.memory_space<vmem_shared>> -> memref<1x640xf32, #tpu.memory_space<vmem_shared>>
    %dma_wait3A_290 = tpu.memref_squeeze %dma_wait3A_289 : memref<1x640xf32, #tpu.memory_space<vmem_shared>> -> memref<640xf32, #tpu.memory_space<vmem_shared>>
    %dma_wait3A_291 = arith.constant 0 : i32
    %dma_wait3A_292 = tpu.memref_slice %arg12[%dma_wait3A_285, %dma_wait3A_291] : memref<16x640xf32, #tpu.memory_space<vmem>> -> memref<1x640xf32, #tpu.memory_space<vmem>>
    %dma_wait3A_293 = tpu.memref_squeeze %dma_wait3A_292 : memref<1x640xf32, #tpu.memory_space<vmem>> -> memref<640xf32, #tpu.memory_space<vmem>>
    %dma_wait3A_294 = tpu.memref_slice %arg13[%dma_wait3A_284, %mul3A_283] : memref<16x10240xf32, #tpu.memory_space<vmem_shared>> -> memref<1x640xf32, #tpu.memory_space<vmem_shared>>
    %dma_wait3A_295 = tpu.memref_squeeze %dma_wait3A_294 : memref<1x640xf32, #tpu.memory_space<vmem_shared>> -> memref<640xf32, #tpu.memory_space<vmem_shared>>
    tpu.wait_dma2 semaphore(%arg15 : memref<!tpu.dma_semaphore, #tpu.memory_space<semaphore_mem>>) src(%dma_wait3A_295 : memref<640xf32, #tpu.memory_space<vmem_shared>>) dst(%dma_wait3A_293 : memref<640xf32, #tpu.memory_space<vmem>>)
    %mul3A_296 = arith.constant 640 : i32
    %mul3A_297 = arith.muli %arg1, %mul3A_296 : i32
    %dma_wait3A_298 = arith.constant 3 : i32
    %dma_wait3A_299 = arith.constant 3 : i32
    %dma_wait3A_300 = arith.constant 0 : i32
    %dma_wait3A_301 = tpu.memref_slice %arg12[%dma_wait3A_299, %dma_wait3A_300] : memref<16x640xf32, #tpu.memory_space<vmem>> -> memref<1x640xf32, #tpu.memory_space<vmem>>
    %dma_wait3A_302 = tpu.memref_squeeze %dma_wait3A_301 : memref<1x640xf32, #tpu.memory_space<vmem>> -> memref<640xf32, #tpu.memory_space<vmem>>
    %dma_wait3A_303 = tpu.memref_slice %arg13[%dma_wait3A_298, %mul3A_297] : memref<16x10240xf32, #tpu.memory_space<vmem_shared>> -> memref<1x640xf32, #tpu.memory_space<vmem_shared>>
    %dma_wait3A_304 = tpu.memref_squeeze %dma_wait3A_303 : memref<1x640xf32, #tpu.memory_space<vmem_shared>> -> memref<640xf32, #tpu.memory_space<vmem_shared>>
    %dma_wait3A_305 = arith.constant 0 : i32
    %dma_wait3A_306 = tpu.memref_slice %arg12[%dma_wait3A_299, %dma_wait3A_305] : memref<16x640xf32, #tpu.memory_space<vmem>> -> memref<1x640xf32, #tpu.memory_space<vmem>>
    %dma_wait3A_307 = tpu.memref_squeeze %dma_wait3A_306 : memref<1x640xf32, #tpu.memory_space<vmem>> -> memref<640xf32, #tpu.memory_space<vmem>>
    %dma_wait3A_308 = tpu.memref_slice %arg13[%dma_wait3A_298, %mul3A_297] : memref<16x10240xf32, #tpu.memory_space<vmem_shared>> -> memref<1x640xf32, #tpu.memory_space<vmem_shared>>
    %dma_wait3A_309 = tpu.memref_squeeze %dma_wait3A_308 : memref<1x640xf32, #tpu.memory_space<vmem_shared>> -> memref<640xf32, #tpu.memory_space<vmem_shared>>
    tpu.wait_dma2 semaphore(%arg15 : memref<!tpu.dma_semaphore, #tpu.memory_space<semaphore_mem>>) src(%dma_wait3A_309 : memref<640xf32, #tpu.memory_space<vmem_shared>>) dst(%dma_wait3A_307 : memref<640xf32, #tpu.memory_space<vmem>>)
    %mul3A_310 = arith.constant 640 : i32
    %mul3A_311 = arith.muli %arg1, %mul3A_310 : i32
    %dma_wait3A_312 = arith.constant 4 : i32
    %dma_wait3A_313 = arith.constant 4 : i32
    %dma_wait3A_314 = arith.constant 0 : i32
    %dma_wait3A_315 = tpu.memref_slice %arg12[%dma_wait3A_313, %dma_wait3A_314] : memref<16x640xf32, #tpu.memory_space<vmem>> -> memref<1x640xf32, #tpu.memory_space<vmem>>
    %dma_wait3A_316 = tpu.memref_squeeze %dma_wait3A_315 : memref<1x640xf32, #tpu.memory_space<vmem>> -> memref<640xf32, #tpu.memory_space<vmem>>
    %dma_wait3A_317 = tpu.memref_slice %arg13[%dma_wait3A_312, %mul3A_311] : memref<16x10240xf32, #tpu.memory_space<vmem_shared>> -> memref<1x640xf32, #tpu.memory_space<vmem_shared>>
    %dma_wait3A_318 = tpu.memref_squeeze %dma_wait3A_317 : memref<1x640xf32, #tpu.memory_space<vmem_shared>> -> memref<640xf32, #tpu.memory_space<vmem_shared>>
    %dma_wait3A_319 = arith.constant 0 : i32
    %dma_wait3A_320 = tpu.memref_slice %arg12[%dma_wait3A_313, %dma_wait3A_319] : memref<16x640xf32, #tpu.memory_space<vmem>> -> memref<1x640xf32, #tpu.memory_space<vmem>>
    %dma_wait3A_321 = tpu.memref_squeeze %dma_wait3A_320 : memref<1x640xf32, #tpu.memory_space<vmem>> -> memref<640xf32, #tpu.memory_space<vmem>>
    %dma_wait3A_322 = tpu.memref_slice %arg13[%dma_wait3A_312, %mul3A_311] : memref<16x10240xf32, #tpu.memory_space<vmem_shared>> -> memref<1x640xf32, #tpu.memory_space<vmem_shared>>
    %dma_wait3A_323 = tpu.memref_squeeze %dma_wait3A_322 : memref<1x640xf32, #tpu.memory_space<vmem_shared>> -> memref<640xf32, #tpu.memory_space<vmem_shared>>
    tpu.wait_dma2 semaphore(%arg15 : memref<!tpu.dma_semaphore, #tpu.memory_space<semaphore_mem>>) src(%dma_wait3A_323 : memref<640xf32, #tpu.memory_space<vmem_shared>>) dst(%dma_wait3A_321 : memref<640xf32, #tpu.memory_space<vmem>>)
    %mul3A_324 = arith.constant 640 : i32
    %mul3A_325 = arith.muli %arg1, %mul3A_324 : i32
    %dma_wait3A_326 = arith.constant 5 : i32
    %dma_wait3A_327 = arith.constant 5 : i32
    %dma_wait3A_328 = arith.constant 0 : i32
    %dma_wait3A_329 = tpu.memref_slice %arg12[%dma_wait3A_327, %dma_wait3A_328] : memref<16x640xf32, #tpu.memory_space<vmem>> -> memref<1x640xf32, #tpu.memory_space<vmem>>
    %dma_wait3A_330 = tpu.memref_squeeze %dma_wait3A_329 : memref<1x640xf32, #tpu.memory_space<vmem>> -> memref<640xf32, #tpu.memory_space<vmem>>
    %dma_wait3A_331 = tpu.memref_slice %arg13[%dma_wait3A_326, %mul3A_325] : memref<16x10240xf32, #tpu.memory_space<vmem_shared>> -> memref<1x640xf32, #tpu.memory_space<vmem_shared>>
    %dma_wait3A_332 = tpu.memref_squeeze %dma_wait3A_331 : memref<1x640xf32, #tpu.memory_space<vmem_shared>> -> memref<640xf32, #tpu.memory_space<vmem_shared>>
    %dma_wait3A_333 = arith.constant 0 : i32
    %dma_wait3A_334 = tpu.memref_slice %arg12[%dma_wait3A_327, %dma_wait3A_333] : memref<16x640xf32, #tpu.memory_space<vmem>> -> memref<1x640xf32, #tpu.memory_space<vmem>>
    %dma_wait3A_335 = tpu.memref_squeeze %dma_wait3A_334 : memref<1x640xf32, #tpu.memory_space<vmem>> -> memref<640xf32, #tpu.memory_space<vmem>>
    %dma_wait3A_336 = tpu.memref_slice %arg13[%dma_wait3A_326, %mul3A_325] : memref<16x10240xf32, #tpu.memory_space<vmem_shared>> -> memref<1x640xf32, #tpu.memory_space<vmem_shared>>
    %dma_wait3A_337 = tpu.memref_squeeze %dma_wait3A_336 : memref<1x640xf32, #tpu.memory_space<vmem_shared>> -> memref<640xf32, #tpu.memory_space<vmem_shared>>
    tpu.wait_dma2 semaphore(%arg15 : memref<!tpu.dma_semaphore, #tpu.memory_space<semaphore_mem>>) src(%dma_wait3A_337 : memref<640xf32, #tpu.memory_space<vmem_shared>>) dst(%dma_wait3A_335 : memref<640xf32, #tpu.memory_space<vmem>>)
    %mul3A_338 = arith.constant 640 : i32
    %mul3A_339 = arith.muli %arg1, %mul3A_338 : i32
    %dma_wait3A_340 = arith.constant 6 : i32
    %dma_wait3A_341 = arith.constant 6 : i32
    %dma_wait3A_342 = arith.constant 0 : i32
    %dma_wait3A_343 = tpu.memref_slice %arg12[%dma_wait3A_341, %dma_wait3A_342] : memref<16x640xf32, #tpu.memory_space<vmem>> -> memref<1x640xf32, #tpu.memory_space<vmem>>
    %dma_wait3A_344 = tpu.memref_squeeze %dma_wait3A_343 : memref<1x640xf32, #tpu.memory_space<vmem>> -> memref<640xf32, #tpu.memory_space<vmem>>
    %dma_wait3A_345 = tpu.memref_slice %arg13[%dma_wait3A_340, %mul3A_339] : memref<16x10240xf32, #tpu.memory_space<vmem_shared>> -> memref<1x640xf32, #tpu.memory_space<vmem_shared>>
    %dma_wait3A_346 = tpu.memref_squeeze %dma_wait3A_345 : memref<1x640xf32, #tpu.memory_space<vmem_shared>> -> memref<640xf32, #tpu.memory_space<vmem_shared>>
    %dma_wait3A_347 = arith.constant 0 : i32
    %dma_wait3A_348 = tpu.memref_slice %arg12[%dma_wait3A_341, %dma_wait3A_347] : memref<16x640xf32, #tpu.memory_space<vmem>> -> memref<1x640xf32, #tpu.memory_space<vmem>>
    %dma_wait3A_349 = tpu.memref_squeeze %dma_wait3A_348 : memref<1x640xf32, #tpu.memory_space<vmem>> -> memref<640xf32, #tpu.memory_space<vmem>>
    %dma_wait3A_350 = tpu.memref_slice %arg13[%dma_wait3A_340, %mul3A_339] : memref<16x10240xf32, #tpu.memory_space<vmem_shared>> -> memref<1x640xf32, #tpu.memory_space<vmem_shared>>
    %dma_wait3A_351 = tpu.memref_squeeze %dma_wait3A_350 : memref<1x640xf32, #tpu.memory_space<vmem_shared>> -> memref<640xf32, #tpu.memory_space<vmem_shared>>
    tpu.wait_dma2 semaphore(%arg15 : memref<!tpu.dma_semaphore, #tpu.memory_space<semaphore_mem>>) src(%dma_wait3A_351 : memref<640xf32, #tpu.memory_space<vmem_shared>>) dst(%dma_wait3A_349 : memref<640xf32, #tpu.memory_space<vmem>>)
    %mul3A_352 = arith.constant 640 : i32
    %mul3A_353 = arith.muli %arg1, %mul3A_352 : i32
    %dma_wait3A_354 = arith.constant 7 : i32
    %dma_wait3A_355 = arith.constant 7 : i32
    %dma_wait3A_356 = arith.constant 0 : i32
    %dma_wait3A_357 = tpu.memref_slice %arg12[%dma_wait3A_355, %dma_wait3A_356] : memref<16x640xf32, #tpu.memory_space<vmem>> -> memref<1x640xf32, #tpu.memory_space<vmem>>
    %dma_wait3A_358 = tpu.memref_squeeze %dma_wait3A_357 : memref<1x640xf32, #tpu.memory_space<vmem>> -> memref<640xf32, #tpu.memory_space<vmem>>
    %dma_wait3A_359 = tpu.memref_slice %arg13[%dma_wait3A_354, %mul3A_353] : memref<16x10240xf32, #tpu.memory_space<vmem_shared>> -> memref<1x640xf32, #tpu.memory_space<vmem_shared>>
    %dma_wait3A_360 = tpu.memref_squeeze %dma_wait3A_359 : memref<1x640xf32, #tpu.memory_space<vmem_shared>> -> memref<640xf32, #tpu.memory_space<vmem_shared>>
    %dma_wait3A_361 = arith.constant 0 : i32
    %dma_wait3A_362 = tpu.memref_slice %arg12[%dma_wait3A_355, %dma_wait3A_361] : memref<16x640xf32, #tpu.memory_space<vmem>> -> memref<1x640xf32, #tpu.memory_space<vmem>>
    %dma_wait3A_363 = tpu.memref_squeeze %dma_wait3A_362 : memref<1x640xf32, #tpu.memory_space<vmem>> -> memref<640xf32, #tpu.memory_space<vmem>>
    %dma_wait3A_364 = tpu.memref_slice %arg13[%dma_wait3A_354, %mul3A_353] : memref<16x10240xf32, #tpu.memory_space<vmem_shared>> -> memref<1x640xf32, #tpu.memory_space<vmem_shared>>
    %dma_wait3A_365 = tpu.memref_squeeze %dma_wait3A_364 : memref<1x640xf32, #tpu.memory_space<vmem_shared>> -> memref<640xf32, #tpu.memory_space<vmem_shared>>
    tpu.wait_dma2 semaphore(%arg15 : memref<!tpu.dma_semaphore, #tpu.memory_space<semaphore_mem>>) src(%dma_wait3A_365 : memref<640xf32, #tpu.memory_space<vmem_shared>>) dst(%dma_wait3A_363 : memref<640xf32, #tpu.memory_space<vmem>>)
    %mul3A_366 = arith.constant 640 : i32
    %mul3A_367 = arith.muli %arg1, %mul3A_366 : i32
    %dma_wait3A_368 = arith.constant 8 : i32
    %dma_wait3A_369 = arith.constant 8 : i32
    %dma_wait3A_370 = arith.constant 0 : i32
    %dma_wait3A_371 = tpu.memref_slice %arg12[%dma_wait3A_369, %dma_wait3A_370] : memref<16x640xf32, #tpu.memory_space<vmem>> -> memref<1x640xf32, #tpu.memory_space<vmem>>
    %dma_wait3A_372 = tpu.memref_squeeze %dma_wait3A_371 : memref<1x640xf32, #tpu.memory_space<vmem>> -> memref<640xf32, #tpu.memory_space<vmem>>
    %dma_wait3A_373 = tpu.memref_slice %arg13[%dma_wait3A_368, %mul3A_367] : memref<16x10240xf32, #tpu.memory_space<vmem_shared>> -> memref<1x640xf32, #tpu.memory_space<vmem_shared>>
    %dma_wait3A_374 = tpu.memref_squeeze %dma_wait3A_373 : memref<1x640xf32, #tpu.memory_space<vmem_shared>> -> memref<640xf32, #tpu.memory_space<vmem_shared>>
    %dma_wait3A_375 = arith.constant 0 : i32
    %dma_wait3A_376 = tpu.memref_slice %arg12[%dma_wait3A_369, %dma_wait3A_375] : memref<16x640xf32, #tpu.memory_space<vmem>> -> memref<1x640xf32, #tpu.memory_space<vmem>>
    %dma_wait3A_377 = tpu.memref_squeeze %dma_wait3A_376 : memref<1x640xf32, #tpu.memory_space<vmem>> -> memref<640xf32, #tpu.memory_space<vmem>>
    %dma_wait3A_378 = tpu.memref_slice %arg13[%dma_wait3A_368, %mul3A_367] : memref<16x10240xf32, #tpu.memory_space<vmem_shared>> -> memref<1x640xf32, #tpu.memory_space<vmem_shared>>
    %dma_wait3A_379 = tpu.memref_squeeze %dma_wait3A_378 : memref<1x640xf32, #tpu.memory_space<vmem_shared>> -> memref<640xf32, #tpu.memory_space<vmem_shared>>
    tpu.wait_dma2 semaphore(%arg15 : memref<!tpu.dma_semaphore, #tpu.memory_space<semaphore_mem>>) src(%dma_wait3A_379 : memref<640xf32, #tpu.memory_space<vmem_shared>>) dst(%dma_wait3A_377 : memref<640xf32, #tpu.memory_space<vmem>>)
    %mul3A_380 = arith.constant 640 : i32
    %mul3A_381 = arith.muli %arg1, %mul3A_380 : i32
    %dma_wait3A_382 = arith.constant 9 : i32
    %dma_wait3A_383 = arith.constant 9 : i32
    %dma_wait3A_384 = arith.constant 0 : i32
    %dma_wait3A_385 = tpu.memref_slice %arg12[%dma_wait3A_383, %dma_wait3A_384] : memref<16x640xf32, #tpu.memory_space<vmem>> -> memref<1x640xf32, #tpu.memory_space<vmem>>
    %dma_wait3A_386 = tpu.memref_squeeze %dma_wait3A_385 : memref<1x640xf32, #tpu.memory_space<vmem>> -> memref<640xf32, #tpu.memory_space<vmem>>
    %dma_wait3A_387 = tpu.memref_slice %arg13[%dma_wait3A_382, %mul3A_381] : memref<16x10240xf32, #tpu.memory_space<vmem_shared>> -> memref<1x640xf32, #tpu.memory_space<vmem_shared>>
    %dma_wait3A_388 = tpu.memref_squeeze %dma_wait3A_387 : memref<1x640xf32, #tpu.memory_space<vmem_shared>> -> memref<640xf32, #tpu.memory_space<vmem_shared>>
    %dma_wait3A_389 = arith.constant 0 : i32
    %dma_wait3A_390 = tpu.memref_slice %arg12[%dma_wait3A_383, %dma_wait3A_389] : memref<16x640xf32, #tpu.memory_space<vmem>> -> memref<1x640xf32, #tpu.memory_space<vmem>>
    %dma_wait3A_391 = tpu.memref_squeeze %dma_wait3A_390 : memref<1x640xf32, #tpu.memory_space<vmem>> -> memref<640xf32, #tpu.memory_space<vmem>>
    %dma_wait3A_392 = tpu.memref_slice %arg13[%dma_wait3A_382, %mul3A_381] : memref<16x10240xf32, #tpu.memory_space<vmem_shared>> -> memref<1x640xf32, #tpu.memory_space<vmem_shared>>
    %dma_wait3A_393 = tpu.memref_squeeze %dma_wait3A_392 : memref<1x640xf32, #tpu.memory_space<vmem_shared>> -> memref<640xf32, #tpu.memory_space<vmem_shared>>
    tpu.wait_dma2 semaphore(%arg15 : memref<!tpu.dma_semaphore, #tpu.memory_space<semaphore_mem>>) src(%dma_wait3A_393 : memref<640xf32, #tpu.memory_space<vmem_shared>>) dst(%dma_wait3A_391 : memref<640xf32, #tpu.memory_space<vmem>>)
    %mul3A_394 = arith.constant 640 : i32
    %mul3A_395 = arith.muli %arg1, %mul3A_394 : i32
    %dma_wait3A_396 = arith.constant 10 : i32
    %dma_wait3A_397 = arith.constant 10 : i32
    %dma_wait3A_398 = arith.constant 0 : i32
    %dma_wait3A_399 = tpu.memref_slice %arg12[%dma_wait3A_397, %dma_wait3A_398] : memref<16x640xf32, #tpu.memory_space<vmem>> -> memref<1x640xf32, #tpu.memory_space<vmem>>
    %dma_wait3A_400 = tpu.memref_squeeze %dma_wait3A_399 : memref<1x640xf32, #tpu.memory_space<vmem>> -> memref<640xf32, #tpu.memory_space<vmem>>
    %dma_wait3A_401 = tpu.memref_slice %arg13[%dma_wait3A_396, %mul3A_395] : memref<16x10240xf32, #tpu.memory_space<vmem_shared>> -> memref<1x640xf32, #tpu.memory_space<vmem_shared>>
    %dma_wait3A_402 = tpu.memref_squeeze %dma_wait3A_401 : memref<1x640xf32, #tpu.memory_space<vmem_shared>> -> memref<640xf32, #tpu.memory_space<vmem_shared>>
    %dma_wait3A_403 = arith.constant 0 : i32
    %dma_wait3A_404 = tpu.memref_slice %arg12[%dma_wait3A_397, %dma_wait3A_403] : memref<16x640xf32, #tpu.memory_space<vmem>> -> memref<1x640xf32, #tpu.memory_space<vmem>>
    %dma_wait3A_405 = tpu.memref_squeeze %dma_wait3A_404 : memref<1x640xf32, #tpu.memory_space<vmem>> -> memref<640xf32, #tpu.memory_space<vmem>>
    %dma_wait3A_406 = tpu.memref_slice %arg13[%dma_wait3A_396, %mul3A_395] : memref<16x10240xf32, #tpu.memory_space<vmem_shared>> -> memref<1x640xf32, #tpu.memory_space<vmem_shared>>
    %dma_wait3A_407 = tpu.memref_squeeze %dma_wait3A_406 : memref<1x640xf32, #tpu.memory_space<vmem_shared>> -> memref<640xf32, #tpu.memory_space<vmem_shared>>
    tpu.wait_dma2 semaphore(%arg15 : memref<!tpu.dma_semaphore, #tpu.memory_space<semaphore_mem>>) src(%dma_wait3A_407 : memref<640xf32, #tpu.memory_space<vmem_shared>>) dst(%dma_wait3A_405 : memref<640xf32, #tpu.memory_space<vmem>>)
    %mul3A_408 = arith.constant 640 : i32
    %mul3A_409 = arith.muli %arg1, %mul3A_408 : i32
    %dma_wait3A_410 = arith.constant 11 : i32
    %dma_wait3A_411 = arith.constant 11 : i32
    %dma_wait3A_412 = arith.constant 0 : i32
    %dma_wait3A_413 = tpu.memref_slice %arg12[%dma_wait3A_411, %dma_wait3A_412] : memref<16x640xf32, #tpu.memory_space<vmem>> -> memref<1x640xf32, #tpu.memory_space<vmem>>
    %dma_wait3A_414 = tpu.memref_squeeze %dma_wait3A_413 : memref<1x640xf32, #tpu.memory_space<vmem>> -> memref<640xf32, #tpu.memory_space<vmem>>
    %dma_wait3A_415 = tpu.memref_slice %arg13[%dma_wait3A_410, %mul3A_409] : memref<16x10240xf32, #tpu.memory_space<vmem_shared>> -> memref<1x640xf32, #tpu.memory_space<vmem_shared>>
    %dma_wait3A_416 = tpu.memref_squeeze %dma_wait3A_415 : memref<1x640xf32, #tpu.memory_space<vmem_shared>> -> memref<640xf32, #tpu.memory_space<vmem_shared>>
    %dma_wait3A_417 = arith.constant 0 : i32
    %dma_wait3A_418 = tpu.memref_slice %arg12[%dma_wait3A_411, %dma_wait3A_417] : memref<16x640xf32, #tpu.memory_space<vmem>> -> memref<1x640xf32, #tpu.memory_space<vmem>>
    %dma_wait3A_419 = tpu.memref_squeeze %dma_wait3A_418 : memref<1x640xf32, #tpu.memory_space<vmem>> -> memref<640xf32, #tpu.memory_space<vmem>>
    %dma_wait3A_420 = tpu.memref_slice %arg13[%dma_wait3A_410, %mul3A_409] : memref<16x10240xf32, #tpu.memory_space<vmem_shared>> -> memref<1x640xf32, #tpu.memory_space<vmem_shared>>
    %dma_wait3A_421 = tpu.memref_squeeze %dma_wait3A_420 : memref<1x640xf32, #tpu.memory_space<vmem_shared>> -> memref<640xf32, #tpu.memory_space<vmem_shared>>
    tpu.wait_dma2 semaphore(%arg15 : memref<!tpu.dma_semaphore, #tpu.memory_space<semaphore_mem>>) src(%dma_wait3A_421 : memref<640xf32, #tpu.memory_space<vmem_shared>>) dst(%dma_wait3A_419 : memref<640xf32, #tpu.memory_space<vmem>>)
    %mul3A_422 = arith.constant 640 : i32
    %mul3A_423 = arith.muli %arg1, %mul3A_422 : i32
    %dma_wait3A_424 = arith.constant 12 : i32
    %dma_wait3A_425 = arith.constant 12 : i32
    %dma_wait3A_426 = arith.constant 0 : i32
    %dma_wait3A_427 = tpu.memref_slice %arg12[%dma_wait3A_425, %dma_wait3A_426] : memref<16x640xf32, #tpu.memory_space<vmem>> -> memref<1x640xf32, #tpu.memory_space<vmem>>
    %dma_wait3A_428 = tpu.memref_squeeze %dma_wait3A_427 : memref<1x640xf32, #tpu.memory_space<vmem>> -> memref<640xf32, #tpu.memory_space<vmem>>
    %dma_wait3A_429 = tpu.memref_slice %arg13[%dma_wait3A_424, %mul3A_423] : memref<16x10240xf32, #tpu.memory_space<vmem_shared>> -> memref<1x640xf32, #tpu.memory_space<vmem_shared>>
    %dma_wait3A_430 = tpu.memref_squeeze %dma_wait3A_429 : memref<1x640xf32, #tpu.memory_space<vmem_shared>> -> memref<640xf32, #tpu.memory_space<vmem_shared>>
    %dma_wait3A_431 = arith.constant 0 : i32
    %dma_wait3A_432 = tpu.memref_slice %arg12[%dma_wait3A_425, %dma_wait3A_431] : memref<16x640xf32, #tpu.memory_space<vmem>> -> memref<1x640xf32, #tpu.memory_space<vmem>>
    %dma_wait3A_433 = tpu.memref_squeeze %dma_wait3A_432 : memref<1x640xf32, #tpu.memory_space<vmem>> -> memref<640xf32, #tpu.memory_space<vmem>>
    %dma_wait3A_434 = tpu.memref_slice %arg13[%dma_wait3A_424, %mul3A_423] : memref<16x10240xf32, #tpu.memory_space<vmem_shared>> -> memref<1x640xf32, #tpu.memory_space<vmem_shared>>
    %dma_wait3A_435 = tpu.memref_squeeze %dma_wait3A_434 : memref<1x640xf32, #tpu.memory_space<vmem_shared>> -> memref<640xf32, #tpu.memory_space<vmem_shared>>
    tpu.wait_dma2 semaphore(%arg15 : memref<!tpu.dma_semaphore, #tpu.memory_space<semaphore_mem>>) src(%dma_wait3A_435 : memref<640xf32, #tpu.memory_space<vmem_shared>>) dst(%dma_wait3A_433 : memref<640xf32, #tpu.memory_space<vmem>>)
    %mul3A_436 = arith.constant 640 : i32
    %mul3A_437 = arith.muli %arg1, %mul3A_436 : i32
    %dma_wait3A_438 = arith.constant 13 : i32
    %dma_wait3A_439 = arith.constant 13 : i32
    %dma_wait3A_440 = arith.constant 0 : i32
    %dma_wait3A_441 = tpu.memref_slice %arg12[%dma_wait3A_439, %dma_wait3A_440] : memref<16x640xf32, #tpu.memory_space<vmem>> -> memref<1x640xf32, #tpu.memory_space<vmem>>
    %dma_wait3A_442 = tpu.memref_squeeze %dma_wait3A_441 : memref<1x640xf32, #tpu.memory_space<vmem>> -> memref<640xf32, #tpu.memory_space<vmem>>
    %dma_wait3A_443 = tpu.memref_slice %arg13[%dma_wait3A_438, %mul3A_437] : memref<16x10240xf32, #tpu.memory_space<vmem_shared>> -> memref<1x640xf32, #tpu.memory_space<vmem_shared>>
    %dma_wait3A_444 = tpu.memref_squeeze %dma_wait3A_443 : memref<1x640xf32, #tpu.memory_space<vmem_shared>> -> memref<640xf32, #tpu.memory_space<vmem_shared>>
    %dma_wait3A_445 = arith.constant 0 : i32
    %dma_wait3A_446 = tpu.memref_slice %arg12[%dma_wait3A_439, %dma_wait3A_445] : memref<16x640xf32, #tpu.memory_space<vmem>> -> memref<1x640xf32, #tpu.memory_space<vmem>>
    %dma_wait3A_447 = tpu.memref_squeeze %dma_wait3A_446 : memref<1x640xf32, #tpu.memory_space<vmem>> -> memref<640xf32, #tpu.memory_space<vmem>>
    %dma_wait3A_448 = tpu.memref_slice %arg13[%dma_wait3A_438, %mul3A_437] : memref<16x10240xf32, #tpu.memory_space<vmem_shared>> -> memref<1x640xf32, #tpu.memory_space<vmem_shared>>
    %dma_wait3A_449 = tpu.memref_squeeze %dma_wait3A_448 : memref<1x640xf32, #tpu.memory_space<vmem_shared>> -> memref<640xf32, #tpu.memory_space<vmem_shared>>
    tpu.wait_dma2 semaphore(%arg15 : memref<!tpu.dma_semaphore, #tpu.memory_space<semaphore_mem>>) src(%dma_wait3A_449 : memref<640xf32, #tpu.memory_space<vmem_shared>>) dst(%dma_wait3A_447 : memref<640xf32, #tpu.memory_space<vmem>>)
    %mul3A_450 = arith.constant 640 : i32
    %mul3A_451 = arith.muli %arg1, %mul3A_450 : i32
    %dma_wait3A_452 = arith.constant 14 : i32
    %dma_wait3A_453 = arith.constant 14 : i32
    %dma_wait3A_454 = arith.constant 0 : i32
    %dma_wait3A_455 = tpu.memref_slice %arg12[%dma_wait3A_453, %dma_wait3A_454] : memref<16x640xf32, #tpu.memory_space<vmem>> -> memref<1x640xf32, #tpu.memory_space<vmem>>
    %dma_wait3A_456 = tpu.memref_squeeze %dma_wait3A_455 : memref<1x640xf32, #tpu.memory_space<vmem>> -> memref<640xf32, #tpu.memory_space<vmem>>
    %dma_wait3A_457 = tpu.memref_slice %arg13[%dma_wait3A_452, %mul3A_451] : memref<16x10240xf32, #tpu.memory_space<vmem_shared>> -> memref<1x640xf32, #tpu.memory_space<vmem_shared>>
    %dma_wait3A_458 = tpu.memref_squeeze %dma_wait3A_457 : memref<1x640xf32, #tpu.memory_space<vmem_shared>> -> memref<640xf32, #tpu.memory_space<vmem_shared>>
    %dma_wait3A_459 = arith.constant 0 : i32
    %dma_wait3A_460 = tpu.memref_slice %arg12[%dma_wait3A_453, %dma_wait3A_459] : memref<16x640xf32, #tpu.memory_space<vmem>> -> memref<1x640xf32, #tpu.memory_space<vmem>>
    %dma_wait3A_461 = tpu.memref_squeeze %dma_wait3A_460 : memref<1x640xf32, #tpu.memory_space<vmem>> -> memref<640xf32, #tpu.memory_space<vmem>>
    %dma_wait3A_462 = tpu.memref_slice %arg13[%dma_wait3A_452, %mul3A_451] : memref<16x10240xf32, #tpu.memory_space<vmem_shared>> -> memref<1x640xf32, #tpu.memory_space<vmem_shared>>
    %dma_wait3A_463 = tpu.memref_squeeze %dma_wait3A_462 : memref<1x640xf32, #tpu.memory_space<vmem_shared>> -> memref<640xf32, #tpu.memory_space<vmem_shared>>
    tpu.wait_dma2 semaphore(%arg15 : memref<!tpu.dma_semaphore, #tpu.memory_space<semaphore_mem>>) src(%dma_wait3A_463 : memref<640xf32, #tpu.memory_space<vmem_shared>>) dst(%dma_wait3A_461 : memref<640xf32, #tpu.memory_space<vmem>>)
    %mul3A_464 = arith.constant 640 : i32
    %mul3A_465 = arith.muli %arg1, %mul3A_464 : i32
    %dma_wait3A_466 = arith.constant 15 : i32
    %dma_wait3A_467 = arith.constant 15 : i32
    %dma_wait3A_468 = arith.constant 0 : i32
    %dma_wait3A_469 = tpu.memref_slice %arg12[%dma_wait3A_467, %dma_wait3A_468] : memref<16x640xf32, #tpu.memory_space<vmem>> -> memref<1x640xf32, #tpu.memory_space<vmem>>
    %dma_wait3A_470 = tpu.memref_squeeze %dma_wait3A_469 : memref<1x640xf32, #tpu.memory_space<vmem>> -> memref<640xf32, #tpu.memory_space<vmem>>
    %dma_wait3A_471 = tpu.memref_slice %arg13[%dma_wait3A_466, %mul3A_465] : memref<16x10240xf32, #tpu.memory_space<vmem_shared>> -> memref<1x640xf32, #tpu.memory_space<vmem_shared>>
    %dma_wait3A_472 = tpu.memref_squeeze %dma_wait3A_471 : memref<1x640xf32, #tpu.memory_space<vmem_shared>> -> memref<640xf32, #tpu.memory_space<vmem_shared>>
    %dma_wait3A_473 = arith.constant 0 : i32
    %dma_wait3A_474 = tpu.memref_slice %arg12[%dma_wait3A_467, %dma_wait3A_473] : memref<16x640xf32, #tpu.memory_space<vmem>> -> memref<1x640xf32, #tpu.memory_space<vmem>>
    %dma_wait3A_475 = tpu.memref_squeeze %dma_wait3A_474 : memref<1x640xf32, #tpu.memory_space<vmem>> -> memref<640xf32, #tpu.memory_space<vmem>>
    %dma_wait3A_476 = tpu.memref_slice %arg13[%dma_wait3A_466, %mul3A_465] : memref<16x10240xf32, #tpu.memory_space<vmem_shared>> -> memref<1x640xf32, #tpu.memory_space<vmem_shared>>
    %dma_wait3A_477 = tpu.memref_squeeze %dma_wait3A_476 : memref<1x640xf32, #tpu.memory_space<vmem_shared>> -> memref<640xf32, #tpu.memory_space<vmem_shared>>
    tpu.wait_dma2 semaphore(%arg15 : memref<!tpu.dma_semaphore, #tpu.memory_space<semaphore_mem>>) src(%dma_wait3A_477 : memref<640xf32, #tpu.memory_space<vmem_shared>>) dst(%dma_wait3A_475 : memref<640xf32, #tpu.memory_space<vmem>>)
    %parallel_loop3A_478 = arith.constant 0 : i32
    %parallel_loop3A_479 = arith.constant 640 : i32
    %parallel_loop3A_480 = arith.constant 16 : i32
    scf.for %parallel_loop3A_487 = %parallel_loop3A_478 to %parallel_loop3A_479 step %parallel_loop3A_480  : i32 {
      %parallel_loop3A_488 = arith.constant 0 : i32
      %parallel_loop3A_489 = arith.index_cast %parallel_loop3A_488 : i32 to index
      %parallel_loop3A_490 = arith.index_cast %parallel_loop3A_487 : i32 to index
      %parallel_loop3A_491 = tpu.vector_load %arg12[%parallel_loop3A_489, %parallel_loop3A_490] {strides = array<i32>} : memref<16x640xf32, #tpu.memory_space<vmem>>, vector<16xf32>,
      %parallel_loop3A_492 = arith.constant 1 : i32
      %parallel_loop3A_493 = arith.index_cast %parallel_loop3A_492 : i32 to index
      %parallel_loop3A_494 = arith.index_cast %parallel_loop3A_487 : i32 to index
      %parallel_loop3A_495 = tpu.vector_load %arg12[%parallel_loop3A_493, %parallel_loop3A_494] {strides = array<i32>} : memref<16x640xf32, #tpu.memory_space<vmem>>, vector<16xf32>,
      %parallel_loop3A_496 = arith.addf %parallel_loop3A_491, %parallel_loop3A_495 : vector<16xf32>
      %parallel_loop3A_497 = arith.constant 2 : i32
      %parallel_loop3A_498 = arith.index_cast %parallel_loop3A_497 : i32 to index
      %parallel_loop3A_499 = arith.index_cast %parallel_loop3A_487 : i32 to index
      %parallel_loop3A_500 = tpu.vector_load %arg12[%parallel_loop3A_498, %parallel_loop3A_499] {strides = array<i32>} : memref<16x640xf32, #tpu.memory_space<vmem>>, vector<16xf32>,
      %parallel_loop3A_501 = arith.addf %parallel_loop3A_496, %parallel_loop3A_500 : vector<16xf32>
      %parallel_loop3A_502 = arith.constant 3 : i32
      %parallel_loop3A_503 = arith.index_cast %parallel_loop3A_502 : i32 to index
      %parallel_loop3A_504 = arith.index_cast %parallel_loop3A_487 : i32 to index
      %parallel_loop3A_505 = tpu.vector_load %arg12[%parallel_loop3A_503, %parallel_loop3A_504] {strides = array<i32>} : memref<16x640xf32, #tpu.memory_space<vmem>>, vector<16xf32>,
      %parallel_loop3A_506 = arith.addf %parallel_loop3A_501, %parallel_loop3A_505 : vector<16xf32>
      %parallel_loop3A_507 = arith.constant 4 : i32
      %parallel_loop3A_508 = arith.index_cast %parallel_loop3A_507 : i32 to index
      %parallel_loop3A_509 = arith.index_cast %parallel_loop3A_487 : i32 to index
      %parallel_loop3A_510 = tpu.vector_load %arg12[%parallel_loop3A_508, %parallel_loop3A_509] {strides = array<i32>} : memref<16x640xf32, #tpu.memory_space<vmem>>, vector<16xf32>,
      %parallel_loop3A_511 = arith.addf %parallel_loop3A_506, %parallel_loop3A_510 : vector<16xf32>
      %parallel_loop3A_512 = arith.constant 5 : i32
      %parallel_loop3A_513 = arith.index_cast %parallel_loop3A_512 : i32 to index
      %parallel_loop3A_514 = arith.index_cast %parallel_loop3A_487 : i32 to index
      %parallel_loop3A_515 = tpu.vector_load %arg12[%parallel_loop3A_513, %parallel_loop3A_514] {strides = array<i32>} : memref<16x640xf32, #tpu.memory_space<vmem>>, vector<16xf32>,
      %parallel_loop3A_516 = arith.addf %parallel_loop3A_511, %parallel_loop3A_515 : vector<16xf32>
      %parallel_loop3A_517 = arith.constant 6 : i32
      %parallel_loop3A_518 = arith.index_cast %parallel_loop3A_517 : i32 to index
      %parallel_loop3A_519 = arith.index_cast %parallel_loop3A_487 : i32 to index
      %parallel_loop3A_520 = tpu.vector_load %arg12[%parallel_loop3A_518, %parallel_loop3A_519] {strides = array<i32>} : memref<16x640xf32, #tpu.memory_space<vmem>>, vector<16xf32>,
      %parallel_loop3A_521 = arith.addf %parallel_loop3A_516, %parallel_loop3A_520 : vector<16xf32>
      %parallel_loop3A_522 = arith.constant 7 : i32
      %parallel_loop3A_523 = arith.index_cast %parallel_loop3A_522 : i32 to index
      %parallel_loop3A_524 = arith.index_cast %parallel_loop3A_487 : i32 to index
      %parallel_loop3A_525 = tpu.vector_load %arg12[%parallel_loop3A_523, %parallel_loop3A_524] {strides = array<i32>} : memref<16x640xf32, #tpu.memory_space<vmem>>, vector<16xf32>,
      %parallel_loop3A_526 = arith.addf %parallel_loop3A_521, %parallel_loop3A_525 : vector<16xf32>
      %parallel_loop3A_527 = arith.constant 8 : i32
      %parallel_loop3A_528 = arith.index_cast %parallel_loop3A_527 : i32 to index
      %parallel_loop3A_529 = arith.index_cast %parallel_loop3A_487 : i32 to index
      %parallel_loop3A_530 = tpu.vector_load %arg12[%parallel_loop3A_528, %parallel_loop3A_529] {strides = array<i32>} : memref<16x640xf32, #tpu.memory_space<vmem>>, vector<16xf32>,
      %parallel_loop3A_531 = arith.addf %parallel_loop3A_526, %parallel_loop3A_530 : vector<16xf32>
      %parallel_loop3A_532 = arith.constant 9 : i32
      %parallel_loop3A_533 = arith.index_cast %parallel_loop3A_532 : i32 to index
      %parallel_loop3A_534 = arith.index_cast %parallel_loop3A_487 : i32 to index
      %parallel_loop3A_535 = tpu.vector_load %arg12[%parallel_loop3A_533, %parallel_loop3A_534] {strides = array<i32>} : memref<16x640xf32, #tpu.memory_space<vmem>>, vector<16xf32>,
      %parallel_loop3A_536 = arith.addf %parallel_loop3A_531, %parallel_loop3A_535 : vector<16xf32>
      %parallel_loop3A_537 = arith.constant 10 : i32
      %parallel_loop3A_538 = arith.index_cast %parallel_loop3A_537 : i32 to index
      %parallel_loop3A_539 = arith.index_cast %parallel_loop3A_487 : i32 to index
      %parallel_loop3A_540 = tpu.vector_load %arg12[%parallel_loop3A_538, %parallel_loop3A_539] {strides = array<i32>} : memref<16x640xf32, #tpu.memory_space<vmem>>, vector<16xf32>,
      %parallel_loop3A_541 = arith.addf %parallel_loop3A_536, %parallel_loop3A_540 : vector<16xf32>
      %parallel_loop3A_542 = arith.constant 11 : i32
      %parallel_loop3A_543 = arith.index_cast %parallel_loop3A_542 : i32 to index
      %parallel_loop3A_544 = arith.index_cast %parallel_loop3A_487 : i32 to index
      %parallel_loop3A_545 = tpu.vector_load %arg12[%parallel_loop3A_543, %parallel_loop3A_544] {strides = array<i32>} : memref<16x640xf32, #tpu.memory_space<vmem>>, vector<16xf32>,
      %parallel_loop3A_546 = arith.addf %parallel_loop3A_541, %parallel_loop3A_545 : vector<16xf32>
      %parallel_loop3A_547 = arith.constant 12 : i32
      %parallel_loop3A_548 = arith.index_cast %parallel_loop3A_547 : i32 to index
      %parallel_loop3A_549 = arith.index_cast %parallel_loop3A_487 : i32 to index
      %parallel_loop3A_550 = tpu.vector_load %arg12[%parallel_loop3A_548, %parallel_loop3A_549] {strides = array<i32>} : memref<16x640xf32, #tpu.memory_space<vmem>>, vector<16xf32>,
      %parallel_loop3A_551 = arith.addf %parallel_loop3A_546, %parallel_loop3A_550 : vector<16xf32>
      %parallel_loop3A_552 = arith.constant 13 : i32
      %parallel_loop3A_553 = arith.index_cast %parallel_loop3A_552 : i32 to index
      %parallel_loop3A_554 = arith.index_cast %parallel_loop3A_487 : i32 to index
      %parallel_loop3A_555 = tpu.vector_load %arg12[%parallel_loop3A_553, %parallel_loop3A_554] {strides = array<i32>} : memref<16x640xf32, #tpu.memory_space<vmem>>, vector<16xf32>,
      %parallel_loop3A_556 = arith.addf %parallel_loop3A_551, %parallel_loop3A_555 : vector<16xf32>
      %parallel_loop3A_557 = arith.constant 14 : i32
      %parallel_loop3A_558 = arith.index_cast %parallel_loop3A_557 : i32 to index
      %parallel_loop3A_559 = arith.index_cast %parallel_loop3A_487 : i32 to index
      %parallel_loop3A_560 = tpu.vector_load %arg12[%parallel_loop3A_558, %parallel_loop3A_559] {strides = array<i32>} : memref<16x640xf32, #tpu.memory_space<vmem>>, vector<16xf32>,
      %parallel_loop3A_561 = arith.addf %parallel_loop3A_556, %parallel_loop3A_560 : vector<16xf32>
      %parallel_loop3A_562 = arith.constant 15 : i32
      %parallel_loop3A_563 = arith.index_cast %parallel_loop3A_562 : i32 to index
      %parallel_loop3A_564 = arith.index_cast %parallel_loop3A_487 : i32 to index
      %parallel_loop3A_565 = tpu.vector_load %arg12[%parallel_loop3A_563, %parallel_loop3A_564] {strides = array<i32>} : memref<16x640xf32, #tpu.memory_space<vmem>>, vector<16xf32>,
      %parallel_loop3A_566 = arith.addf %parallel_loop3A_561, %parallel_loop3A_565 : vector<16xf32>
      %parallel_loop3A_567 = arith.constant 1.000000e+00 : f32
      %parallel_loop3A_568 = vector.broadcast %parallel_loop3A_567 : f32 to vector<16xf32>
      %parallel_loop3A_569 = arith.divf %parallel_loop3A_568, %parallel_loop3A_566 : vector<16xf32>
      %parallel_loop3A_570 = arith.index_cast %parallel_loop3A_487 : i32 to index
      %parallel_loop3A_571 = tpu.vector_load %arg11[%parallel_loop3A_570] {strides = array<i32>} : memref<10240xf32, #tpu.memory_space<vmem>>, vector<16xf32>,
      tpu.vector_store %arg11[%parallel_loop3A_570], %parallel_loop3A_569 {strides = array<i32>} : memref<10240xf32, #tpu.memory_space<vmem>>, vector<16xf32>,
    } {sc.loop_unroll_factor = 4 : i64, sc.parallel_access}
    %mul3A_481 = arith.constant 640 : i32
    %mul3A_482 = arith.muli %arg1, %mul3A_481 : i32
    "tpu.region"() ({
      %run_scoped3A = tpu.sem_alloc : memref<!tpu.dma_semaphore, #tpu.memory_space<semaphore_mem>>
      %dma_start3A_487 = arith.constant 0 : i32
      %dma_start3A_488 = tpu.memref_slice %arg11[%dma_start3A_487] : memref<10240xf32, #tpu.memory_space<vmem>> -> memref<640xf32, #tpu.memory_space<vmem>>
      %dma_start3A_489 = tpu.memref_slice %arg14[%mul3A_482] : memref<10240xf32, #tpu.memory_space<vmem_shared>> -> memref<640xf32, #tpu.memory_space<vmem_shared>>
      %dma_start3A_490 = tpu.memref_slice %arg14[%mul3A_482] : memref<10240xf32, #tpu.memory_space<vmem_shared>> -> memref<640xf32, #tpu.memory_space<vmem_shared>>
      %dma_start3A_491 = arith.constant 0 : i32
      %dma_start3A_492 = tpu.memref_slice %arg11[%dma_start3A_491] : memref<10240xf32, #tpu.memory_space<vmem>> -> memref<640xf32, #tpu.memory_space<vmem>>
      tpu.enqueue_dma source(%dma_start3A_492 : memref<640xf32, #tpu.memory_space<vmem>>) target(%dma_start3A_490 : memref<640xf32, #tpu.memory_space<vmem_shared>>) target_semaphore(%run_scoped3A : memref<!tpu.dma_semaphore, #tpu.memory_space<semaphore_mem>>)
      %dma_wait3A_493 = arith.constant 0 : i32
      %dma_wait3A_494 = tpu.memref_slice %arg11[%dma_wait3A_493] : memref<10240xf32, #tpu.memory_space<vmem>> -> memref<640xf32, #tpu.memory_space<vmem>>
      %dma_wait3A_495 = tpu.memref_slice %arg14[%mul3A_482] : memref<10240xf32, #tpu.memory_space<vmem_shared>> -> memref<640xf32, #tpu.memory_space<vmem_shared>>
      %dma_wait3A_496 = tpu.memref_slice %arg14[%mul3A_482] : memref<10240xf32, #tpu.memory_space<vmem_shared>> -> memref<640xf32, #tpu.memory_space<vmem_shared>>
      %dma_wait3A_497 = arith.constant 0 : i32
      %dma_wait3A_498 = tpu.memref_slice %arg11[%dma_wait3A_497] : memref<10240xf32, #tpu.memory_space<vmem>> -> memref<640xf32, #tpu.memory_space<vmem>>
      tpu.wait_dma2 semaphore(%run_scoped3A : memref<!tpu.dma_semaphore, #tpu.memory_space<semaphore_mem>>) src(%dma_wait3A_498 : memref<640xf32, #tpu.memory_space<vmem>>) dst(%dma_wait3A_496 : memref<640xf32, #tpu.memory_space<vmem_shared>>)
      tpu.yield
    }) : () -> ()
    %barrier3A_483 = arith.constant 0 : index
    tpu.barrier barrier_id(%barrier3A_483)
    "tpu.region"() ({
      %run_scoped3A = tpu.sem_alloc : memref<!tpu.dma_semaphore, #tpu.memory_space<semaphore_mem>>
      tpu.enqueue_dma source(%arg14 : memref<10240xf32, #tpu.memory_space<vmem_shared>>) target(%arg11 : memref<10240xf32, #tpu.memory_space<vmem>>) target_semaphore(%run_scoped3A : memref<!tpu.dma_semaphore, #tpu.memory_space<semaphore_mem>>)
      tpu.wait_dma2 semaphore(%run_scoped3A : memref<!tpu.dma_semaphore, #tpu.memory_space<semaphore_mem>>) src(%arg14 : memref<10240xf32, #tpu.memory_space<vmem_shared>>) dst(%arg11 : memref<10240xf32, #tpu.memory_space<vmem>>)
      tpu.yield
    }) : () -> ()
    %parallel_loop3A_484 = arith.constant 0 : i32
    %parallel_loop3A_485 = arith.constant 20000 : i32
    %parallel_loop3A_486 = arith.constant 16 : i32
    scf.for %parallel_loop3A_487 = %parallel_loop3A_484 to %parallel_loop3A_485 step %parallel_loop3A_486  : i32 {
      %parallel_loop3A_488 = arith.index_cast %parallel_loop3A_487 : i32 to index
      %parallel_loop3A_489 = tpu.vector_load %arg7[%parallel_loop3A_488] {strides = array<i32>} : memref<20000xi32, #tpu.memory_space<vmem>>, vector<16xi32>,
      %parallel_loop3A_490 = tpu.vector_load_idx %arg11[%parallel_loop3A_489] : memref<10240xf32, #tpu.memory_space<vmem>>[vector<16xi32>], vector<16xf32>,
      %parallel_loop3A_491 = arith.index_cast %parallel_loop3A_487 : i32 to index
      %parallel_loop3A_492 = tpu.vector_load %arg9[%parallel_loop3A_491] {strides = array<i32>} : memref<20000xf32, #tpu.memory_space<vmem>>, vector<16xf32>,
      %parallel_loop3A_493 = arith.mulf %parallel_loop3A_492, %parallel_loop3A_490 : vector<16xf32>
      %parallel_loop3A_494 = arith.index_cast %parallel_loop3A_487 : i32 to index
      %parallel_loop3A_495 = tpu.vector_load %arg9[%parallel_loop3A_494] {strides = array<i32>} : memref<20000xf32, #tpu.memory_space<vmem>>, vector<16xf32>,
      tpu.vector_store %arg9[%parallel_loop3A_494], %parallel_loop3A_493 {strides = array<i32>} : memref<20000xf32, #tpu.memory_space<vmem>>, vector<16xf32>,
    } {sc.loop_unroll_factor = 5 : i64, sc.parallel_access}
    "tpu.region"() ({
      %run_scoped3A = tpu.sem_alloc : memref<!tpu.dma_semaphore, #tpu.memory_space<semaphore_mem>>
      %dma_start3A_487 = arith.constant 0 : i32
      %dma_start3A_488 = tpu.memref_slice %arg4[%arg1, %dma_start3A_487] : memref<16x20000xf32, #tpu.memory_space<hbm>> -> memref<1x20000xf32, #tpu.memory_space<hbm>>
      %dma_start3A_489 = tpu.memref_squeeze %dma_start3A_488 : memref<1x20000xf32, #tpu.memory_space<hbm>> -> memref<20000xf32, #tpu.memory_space<hbm>>
      %dma_start3A_490 = arith.constant 0 : i32
      %dma_start3A_491 = tpu.memref_slice %arg4[%arg1, %dma_start3A_490] : memref<16x20000xf32, #tpu.memory_space<hbm>> -> memref<1x20000xf32, #tpu.memory_space<hbm>>
      %dma_start3A_492 = tpu.memref_squeeze %dma_start3A_491 : memref<1x20000xf32, #tpu.memory_space<hbm>> -> memref<20000xf32, #tpu.memory_space<hbm>>
      tpu.enqueue_dma source(%arg9 : memref<20000xf32, #tpu.memory_space<vmem>>) target(%dma_start3A_492 : memref<20000xf32, #tpu.memory_space<hbm>>) target_semaphore(%run_scoped3A : memref<!tpu.dma_semaphore, #tpu.memory_space<semaphore_mem>>)
      %dma_wait3A_493 = arith.constant 0 : i32
      %dma_wait3A_494 = tpu.memref_slice %arg4[%arg1, %dma_wait3A_493] : memref<16x20000xf32, #tpu.memory_space<hbm>> -> memref<1x20000xf32, #tpu.memory_space<hbm>>
      %dma_wait3A_495 = tpu.memref_squeeze %dma_wait3A_494 : memref<1x20000xf32, #tpu.memory_space<hbm>> -> memref<20000xf32, #tpu.memory_space<hbm>>
      %dma_wait3A_496 = arith.constant 0 : i32
      %dma_wait3A_497 = tpu.memref_slice %arg4[%arg1, %dma_wait3A_496] : memref<16x20000xf32, #tpu.memory_space<hbm>> -> memref<1x20000xf32, #tpu.memory_space<hbm>>
      %dma_wait3A_498 = tpu.memref_squeeze %dma_wait3A_497 : memref<1x20000xf32, #tpu.memory_space<hbm>> -> memref<20000xf32, #tpu.memory_space<hbm>>
      tpu.wait_dma2 semaphore(%run_scoped3A : memref<!tpu.dma_semaphore, #tpu.memory_space<semaphore_mem>>) src(%arg9 : memref<20000xf32, #tpu.memory_space<vmem>>) dst(%dma_wait3A_498 : memref<20000xf32, #tpu.memory_space<hbm>>)
      tpu.yield
    }) : () -> ()
    return
  }
}

module attributes {stable_mosaic.version = 14 : i64} {
  func.func @body(%arg0: memref<2x128xf32, #tpu.memory_space<vmem>>, %arg1: memref<10000x128xf32, #tpu.memory_space<vmem>>, %arg2: memref<20000xf32, #tpu.memory_space<vmem>>) attributes {dimension_semantics = [], scalar_prefetch = 0 : i64, scratch_operands = 0 : i64, tpu.core_type = #tpu.core_type<tc>} {
    %get3A = arith.constant 0 : index
    %get3A_0 = arith.constant 0 : index
    %get3A_1 = vector.load %arg0[%get3A, %get3A_0] : memref<2x128xf32, #tpu.memory_space<vmem>>, vector<2x128xf32>
    %get3A_2 = arith.constant 0 : index
    %get3A_3 = arith.constant 0 : index
    %get3A_4 = vector.load %arg1[%get3A_2, %get3A_3] : memref<10000x128xf32, #tpu.memory_space<vmem>>, vector<10000x128xf32>
    %dot_general3A = arith.constant dense<0.000000e+00> : vector<2x10000xf32>
    %dot_general3A_5 = tpu.matmul %get3A_1, %get3A_4, %dot_general3A {dimension_numbers = #tpu.dot_dimension_numbers<[1], [1], [0], [0], [0, 0, 1, 0], [], []>, precision = #tpu.contract_precision<fp32>, transpose_lhs_hint = false} : vector<2x128xf32>, vector<10000x128xf32>, vector<2x10000xf32> -> vector<2x10000xf32>
    %slice3A = vector.extract_strided_slice %dot_general3A_5 {offsets = [0, 0], sizes = [1, 10000], strides = [1, 1]} : vector<2x10000xf32> to vector<1x10000xf32>
    %squeeze3A = vector.shape_cast %slice3A : vector<1x10000xf32> to vector<10000xf32>
    %swap3A = arith.constant 0 : index
    %swap3A_6 = vector.load %arg2[%swap3A] : memref<20000xf32, #tpu.memory_space<vmem>>, vector<10000xf32>
    tpu.vector_store %arg2[%swap3A], %squeeze3A {strides = array<i32>} : memref<20000xf32, #tpu.memory_space<vmem>>, vector<10000xf32>,
    %slice3A_7 = vector.extract_strided_slice %dot_general3A_5 {offsets = [1, 0], sizes = [1, 10000], strides = [1, 1]} : vector<2x10000xf32> to vector<1x10000xf32>
    %squeeze3A_8 = vector.shape_cast %slice3A_7 : vector<1x10000xf32> to vector<10000xf32>
    %swap3A_9 = arith.constant 10000 : index
    %swap3A_10 = vector.load %arg2[%swap3A_9] : memref<20000xf32, #tpu.memory_space<vmem>>, vector<10000xf32>
    tpu.vector_store %arg2[%swap3A_9], %squeeze3A_8 {strides = array<i32>} : memref<20000xf32, #tpu.memory_space<vmem>>, vector<10000xf32>,
    return
  }
}

</mosaic_0001>

<sc_bundles>
// kernel: kernel.4.cloned.1.call-start
scs
__scs_entry_jumppad:
0x0: {  	(pc) =	sbr.rel $0x88, $3  }
0x1: {  	(tag) =	ssettag $0x0;
	lr =	simm.s32 $0x1  }
0x2: {  	[smem:$0x3F9E] =	sst lr;
	_ =	strace $0xD0000000  }
0x3: {  	_ = 	snop  }
0x4: {  	_ = 	snop  }
0x5: {  	_ = 	snop  }
0x6: {  	_ = 	snop  }
0x7: {  	_ = 	snop  }
__scs_overlays_trampoline_lowered:
0x8: {  	[smem:$0x3FAD] =	sst s0  }
0x9: {  	[smem:$0x3FAE] =	sst s1  }
0xa: {  	[smem:$0x3FAF] =	sst s2  }
0xb: {  	[smem:$0x3FB0] =	sst s3  }
0xc: {  	[smem:$0x3FB1] =	sst s4  }
0xd: {  	[smem:$0x3FB2] =	sst s5  }
0xe: {  	[smem:$0x3FB3] =	sst s6  }
0xf: {  	[smem:$0x3FB4] =	sst s7  }
0x10: {  	[smem:$0x3FB5] =	sst s8  }
0x11: {  	[smem:$0x3FB6] =	sst s9;
	s0 =	simm.s32 @!p0 $0x0  }
0x12: {  	s1 =	sld [smem:$0x3F9C];
	s0 =	simm.s32 @p0 $0x1  }
0x13: {  	[smem:$0x3FB7] =	sst s0;
	s0 =	simm.s32 @!p1 $0x0  }
0x14: {  	s2 =	sld [smem:$0x3F9B];
	s0 =	simm.s32 @p1 $0x1  }
0x15: {  	[smem:$0x3FB8] =	sst s0;
	s0 =	simm.s32 @!p2 $0x0  }
0x16: {  	s3 =	sld [smem:$0x3FDB];
	s0 =	simm.s32 @p2 $0x1  }
0x17: {  	s4 =	simm.s32 $0x1BF5;
	[smem:$0x3FBA] =	sst s0  }
0x18: {  	s0 =	sld [smem:$0x3F9D];
	_ =	swait.ge [sflag:s4], $0x0  }
0x19: {  	s7 =	sld [smem:$0x3F9E]  }
0x1a: {  	s8 =	sadd.s32 $0xFFFFE003, lr  }
0x1b: {  	s9 =	sadd.s32 $0xFFFFFEF7, lr;
	s5 =	simm.s32 $0xFFFFFFFF;
	p2 =	slt.u32 s8, $0xFFFFF086  }
0x1c: {  	p1 =	slt.u32 s9, $0xF7A;
	s5 =	simm.s32 @!p2 $0x0  }
0x1d: {  	s5 =	simm.s32 @p1 $0x1;
	p0 =	seq.s32 s7, s2  }
0x1e: {  	s7 =	smul.u32 @!p0 $0xF7A, s2;
	p2 =	seq.s32 @!p0 s5, $0x0  }
0x1f: {  	s9 =	smul.u32 $0xF7A, s1;
	s8 =	simm.s32 @!p0 $0x1BF5;
	p2 =	por !p2, p0  }
0x20: {  	[sflag:s8] =	ssyncset.s32 @!p0 $0xFFFFF086;
	s6 =	sadd.s32 @!p0 s3, s7;
	s7 =	simm.s32 @!p0 $0x108  }
0x21: {  	s3 =	sadd.s32 s3, s9;
	s6 =	sadd.s32 @!p0 $0x88, s6;
	s7 =	simm.s32 @p2 $0x1082  }
0x22: {  	[simem:s7], [sflag:s8] =	dma.local @!p0 [hbm:s6], $0xF7A  }
0x23: {  	s9 =	sor.u32 $0xD0000000, s2;
	s6 =	simm.s32 $0x108;
	_ =	swait.ge @!p0 [sflag:s8], $0x0  }
0x24: {  	s3 =	sadd.s32 $0x88, s3;
	s6 =	simm.s32 @!p1 $0x1082;
	[sflag:s4] =	ssyncset.s32 $0xFFFFF086  }
0x25: {  	[simem:s6], [sflag:s4] =	dma.local [hbm:s3], $0xF7A  }
0x26: {  	[smem:$0x3F9E] =	sst s1;
	(tag) =	ssettag s2;
	_ =	strace s9  }
0x27: {  	s1 =	sld [smem:$0x3FAE]  }
0x28: {  	s2 =	sld [smem:$0x3FAF]  }
0x29: {  	s4 =	sld [smem:$0x3FB1]  }
0x2a: {  	p0 =	seq.s32 s5, $0x0;
	s5 =	sld [smem:$0x3FB2]  }
0x2b: {  	s6 =	sld [smem:$0x3FB3]  }
0x2c: {  	s7 =	sld [smem:$0x3FB4]  }
0x2d: {  	s3 =	simm.s32 $0x108;
	s8 =	sld [smem:$0x3FB5]  }
0x2e: {  	s3 =	simm.s32 @!p0 $0x1082;
	s9 =	sld [smem:$0x3FB6]  }
0x2f: {  	lr =	sadd.s32 s0, s3;
	s0 =	sld [smem:$0x3FAD]  }
0x30: {  	s3 =	sld [smem:$0x3FB0]  }
0x31: {  	[smem:$0x3FB9] =	sst s10  }
0x32: {  	s10 =	sld [smem:$0x3FB7];
	_ =	sdelay $0x3  }
0x33: {  	p0 =	seq.s32 s10, $0x1;
	s10 =	sld [smem:$0x3FB9];
	_ =	sdelay $0x3  }
0x34: {  	[smem:$0x3FB9] =	sst s10  }
0x35: {  	s10 =	sld [smem:$0x3FB8];
	_ =	sdelay $0x3  }
0x36: {  	p1 =	seq.s32 s10, $0x1;
	s10 =	sld [smem:$0x3FB9];
	_ =	sdelay $0x3  }
0x37: {  	[smem:$0x3FB9] =	sst s10  }
0x38: {  	s10 =	sld [smem:$0x3FBA]  }
0x39: {  	_ = 	snop;
	(pc) =	sbr.ind lr, $3  }
0x3a: {  	_ = 	snop  }
0x3b: {  	_ = 	snop  }
0x3c: {  	p2 =	seq.s32 s10, $0x1;
	s10 =	sld [smem:$0x3FB9]  }
0x3d: {  	_ =	shalt  }
0x3e: {  	_ =	shalt  }
0x3f: {  	_ =	shalt  }
0x40: {  	_ =	shalt  }
0x41: {  	_ =	shalt  }
0x42: {  	_ =	shalt  }
0x43: {  	_ =	shalt  }
0x44: {  	_ =	shalt  }
0x45: {  	_ =	shalt  }
0x46: {  	_ =	shalt  }
0x47: {  	_ =	shalt  }
0x48: {  	_ =	shalt  }
0x49: {  	_ =	shalt  }
0x4a: {  	_ =	shalt  }
0x4b: {  	_ =	shalt  }
0x4c: {  	_ =	shalt  }
0x4d: {  	_ =	shalt  }
0x4e: {  	_ =	shalt  }
0x4f: {  	_ =	shalt  }
0x50: {  	_ =	shalt  }
0x51: {  	_ =	shalt  }
0x52: {  	_ =	shalt  }
0x53: {  	_ =	shalt  }
0x54: {  	_ =	shalt  }
0x55: {  	_ =	shalt  }
0x56: {  	_ =	shalt  }
0x57: {  	_ =	shalt  }
0x58: {  	_ =	shalt  }
0x59: {  	_ =	shalt  }
0x5a: {  	_ =	shalt  }
0x5b: {  	_ =	shalt  }
0x5c: {  	_ =	shalt  }
0x5d: {  	_ =	shalt  }
0x5e: {  	_ =	shalt  }
0x5f: {  	_ =	shalt  }
0x60: {  	_ =	shalt  }
0x61: {  	_ =	shalt  }
0x62: {  	_ =	shalt  }
0x63: {  	_ =	shalt  }
0x64: {  	_ =	shalt  }
0x65: {  	_ =	shalt  }
0x66: {  	_ =	shalt  }
0x67: {  	_ =	shalt  }
0x68: {  	_ =	shalt  }
0x69: {  	_ =	shalt  }
0x6a: {  	_ =	shalt  }
0x6b: {  	_ =	shalt  }
0x6c: {  	_ =	shalt  }
0x6d: {  	_ =	shalt  }
0x6e: {  	_ =	shalt  }
0x6f: {  	_ =	shalt  }
0x70: {  	_ =	shalt  }
0x71: {  	_ =	shalt  }
0x72: {  	_ =	shalt  }
0x73: {  	_ =	shalt  }
0x74: {  	_ =	shalt  }
0x75: {  	_ =	shalt  }
0x76: {  	_ =	shalt  }
0x77: {  	_ =	shalt  }
0x78: {  	_ =	shalt  }
0x79: {  	_ =	shalt  }
0x7a: {  	_ =	shalt  }
0x7b: {  	_ =	shalt  }
0x7c: {  	_ =	shalt  }
0x7d: {  	_ =	shalt  }
0x7e: {  	_ =	shalt  }
0x7f: {  	_ =	shalt  }
0x80: {  	_ =	shalt  }
0x81: {  	_ =	shalt  }
0x82: {  	_ =	shalt  }
0x83: {  	_ =	shalt  }
0x84: {  	_ =	shalt  }
0x85: {  	_ =	shalt  }
0x86: {  	_ =	shalt  }
0x87: {  	_ =	shalt  }
.Lfunc_end0:
.L_simem_size_0:
called_computation_lowered:
.L_overlay_start_0:
0x88: {  	s0 =	sld [smem:$0x3FD9]  }
0x89: {  	s1 =	sld [smem:$0x3FFE];
	_ =	sdelay $0x3  }
0x8a: {  	s0 =	sadd.s32 s1, s0  }
0x8b: {  	[smem:$0x3FC5] =	sst s0  }
0x8c: {  	_ = 	snop  }
0x8d: {  	s0 =	sld [smem:$0x3FD0];
	(tm) =	ssettm $0x1  }
0x8e: {  	s16 =	sld [smem:$0x3FFB];
	_ =	sdelay $0x3  }
0x8f: {  	_ =	strace s16  }
0x90: {  	s1 =	sld [smem:$0x3FFC];
	_ =	sdelay $0x3  }
0x91: {  	_ =	strace s1  }
0x92: {  	s1 =	sld [smem:$0x3FFD];
	_ =	sdelay $0x3  }
0x93: {  	_ =	strace s1  }
0x94: {  	_ =	strace $0x8FFFFFFF  }
0x95: {  	s17 =	sld [smem:$0x3FDB];
	_ =	sdelay $0x1  }
0x96: {  	s2 =	simm.s32 $_scs_section_size  }
0x97: {  	s3 =	simm.s32 $_size__tile_overlayer_lowered;
	s4 =	simm.s32 $_tile_overlayer_lowered  }
0x98: {  	s20 =	simm.s32 $0x1BFF;
	s19 =	sshll.u32 s4, $0x1;
	s1 =	sadd.s32 s2, s17  }
0x99: {  	s5 =	simm.s32 $0x0;
	s18 =	sshll.u32 s3, $0x1;
	s3 =	sadd.s32 s19, s1  }
0x9a: {  	[timem:s5], [sflag:s20] =	dma.local [hbm:s3], s18  }
0x9b: {  	_ =	swait.ge [sflag:s20], s18  }
0x9c: {  	s2 =	ssub.s32 $0x0, s18;
	[sflag:s20] =	ssyncset.done $0x0  }
0x9d: {  	[sflag:s20] =	ssyncadd.s32 s2;
	_ =	sdelay $0x1  }
0x9e: {  	s21 =	simm.s32 $0x1B8B  }
0x9f: {  	_ =	swait.ge [sflag:s21], $0x1  }
0xa0: {  	[sflag:s21] =	ssyncset.done $0x0  }
0xa1: {  	s23 =	simm.s32 $0x1B8E;
	s22 =	sld [smem:$0x3FFE];
	[sflag:s21] =	ssyncadd.s32 $0xFFFFFFFF  }
0xa2: {  	s24 =	simm.s32 $execute0_lowered;
	[smem:$0x3FD2] =	sst s23  }
0xa3: {  	s3 =	sshll.u32 s24, $0x1;
	_ =	strace $0x80000046;
	[dreg:$0x1] =	wrdreg $0xFFFFFFFF  }
0xa4: {  	s25 =	simm.s32 $_size_execute0_lowered;
	s1 =	sadd.s32 s1, s3;
	[dreg:$0x0] =	wrdreg $0x0  }
0xa5: {  	s3 =	sshll.u32 s25, $0x1;
	[dreg:$0x2] =	wrdreg s1  }
0xa6: {  	[dreg:$0x3] =	wrdreg s3  }
0xa7: {  	[dreg:$0x4] =	wrdreg $0xC0  }
0xa8: {  	_ =	task [dreg:s5], $0x5FFFF  }
0xa9: {  	[dreg:$0x1] =	wrdreg $0xFFFFFFFF  }
0xaa: {  	[dreg:$0x0] =	wrdreg $0x60  }
0xab: {  	[dreg:$0x2] =	wrdreg s0  }
0xac: {  	[dreg:$0x3] =	wrdreg s22  }
0xad: {  	[dreg:$0x4] =	wrdreg $0x1B2800  }
0xae: {  	[dreg:$0x5] =	wrdreg $0x1DA800  }
0xaf: {  	[dreg:$0x6] =	wrdreg $0x9  }
0xb0: {  	_ =	task.clear_ibuf [dreg:s5], $0x7FFFF;
	_ =	strace $0x90000046  }
0xb1: {  	s26 =	simm.s32 $0x9;
	_ =	strace $0x80000048  }
0xb2: {  	_ =	swait.ge [sflag:s26], $0x1  }
0xb3: {  	[sflag:s26] =	ssyncadd.s32 $0xFFFFFFFF  }
0xb4: {  	_ =	strace $0x90000048  }
0xb5: {  	_ =	sfence  }
0xb6: {  	s28 =	sld [smem:$0x0];
	_ =	sdelay $0x1  }
0xb7: {  	s29 =	srdreg.scid  }
0xb8: {  	s30 =	sshll.u32 s29, $0xD;
	s31 =	sshrl.u32 s29, $0x2  }
0xb9: {  	s2 =	sand.u32 $0x4000, s30;
	s1 =	sand.u32 $0x1, s29;
	s0 =	sadd.s32 s31, s28  }
0xba: {  	s1 =	sor.u32 s2, s1;
	s0 =	sshll.u32 s0, $0x11  }
0xbb: {  	s0 =	sor.u32 s0, s1  }
0xbc: {  	s0 =	sadd.s32 $0x8F2B, s0  }
0xbd: {  	[sflag:s0] =	ssyncadd.remote.s32 $0x1  }
0xbe: {  	_ =	sfence.sel $0xFFFF  }
0xbf: {  	[dreg:$0x0] =	wrdreg $0xFFFFFFFF;
	(pc) =	sbr.abs _section_cstart, $3  }
0xc0: {  	[dreg:$0x1] =	wrdreg $0xFFFFFFFF  }
0xc1: {  	_ =	task.clear_ibuf [dreg:s5], $0x2FFFF;
	_ =	strace $0x9FFFFFFF  }
0xc2: {  	(tm) =	ssettm $0x7FFFFFFF  }
0xc3: {  	_ =	shalt  }
tec
execute0_lowered:
.L_overlay_start_1:
0x0: {  	(tag) =	ssettag $0x1  }
0x1: {  	s0 =	rddreg [dreg:$0x0];
	s10 =	stileid.u32  }
0x2: {  	s1 =	rddreg [dreg:$0x1];
	s2 =	simm.s32 $0x0;
	s3 =	smul.u32 $0x4E20, s10  }
0x3: {  	[smem:$0x7FF] =	sst s2  }
0x4: {  	s6 =	rddreg [dreg:$0x2];
	_ =	strace $0x80000047;
	s3 =	sshrl.u32 s3, $0x3  }
0x5: {  	[tilespmem:s2], [sflag:$0x1] =	stream.linear.gather [hbm4b:s0+s2], $0x2710, $0x38;
	[tilespmem:$0x1DD00] =	vst v63  }
0x6: {  	s4 =	simm.s32 $0x2780;
	s0 =	sadd.s32 $0x4E2, s0;
	s3 =	sadd.s32 s3, s1  }
0x7: {  	[tilespmem:s4], [sflag:$0x1] =	stream.linear.gather [hbm4b:s0+s2], $0x2710, $0x38;
	[tilespmem:$0x1DD00] =	vst v63  }
0x8: {  	s29 =	simm.s32 $0x4F00;
	s28 =	sadd.s32 $0xA00, s3  }
0x9: {  	[tilespmem:s29], [sflag:$0x1] =	stream.linear.gather [hbm4b:s28+s2], $0x4E20, $0x38;
	[tilespmem:$0x1DD00] =	vst v63  }
0xa: {  	s31 =	simm.s32 $0x9D80;
	s30 =	sadd.s32 $0xA640, s3;
	s0 =	simm.s32 $0x13AC0  }
0xb: {  	v0 =	vimm.f32 $0.0e+00;
	[tilespmem:s31], [sflag:$0x1] =	stream.linear.gather [hbm4b:s30+s2], $0x4E20, $0x38;
	[tilespmem:$0x1DD00] =	vst v63  }
0xc: {  	[tilespmem:s0+$0xFFFFFFC0] =	vst v0  }
0xd: {  	[tilespmem:s0+$0x30] =	vst v0  }
0xe: {  	[tilespmem:s0+$0x20] =	vst v0  }
0xf: {  	[tilespmem:s0+$0x10] =	vst v0  }
0x10: {  	[tilespmem:s0+$0x0] =	vst v0  }
0x11: {  	s1 =	sadd.s32 $0x14400, s1;
	[tilespmem:s0+$0xFFFFFFF0] =	vst v0  }
0x12: {  	[dreg:$0xa] =	wrdreg s1  }
0x13: {  	s1 =	simm.s32 $0x0;
	[tilespmem:s0+$0xFFFFFFE0] =	vst v0  }
.LBB2_1:
0x14: {  	s1 =	sadd.s32 $0x80, s1;
	[tilespmem:s0+$0xFFFFFFD0] =	vst v0;
	s0 =	sadd.s32 $0x80, s0  }
0x15: {  	[tilespmem:s0+$0xFFFFFFC0] =	vst v0;
	p0 =	slt.u32 s1, $0x2780  }
0x16: {  	[tilespmem:s0+$0x30] =	vst v0  }
.Ltmp0:
0x17: {  	[tilespmem:s0+$0x20] =	vst v0;
	(pc) =	sbr.rel @p0 .LBB2_1-.Ltmp0, $4  }
0x18: {  	[tilespmem:s0+$0x10] =	vst v0  }
0x19: {  	[tilespmem:s0+$0x0] =	vst v0  }
0x1a: {  	[tilespmem:s0+$0xFFFFFFF0] =	vst v0  }
0x1b: {  	[tilespmem:s0+$0xFFFFFFE0] =	vst v0  }
0x1c: {  	[tilespmem:s0+$0xFFFFFFD0] =	vst v0;
	s29 =	simm.s32 $0x1  }
0x1d: {  	_ =	swait.ge [sflag:s29], $0x2710  }
0x1e: {  	[sflag:s29] =	ssyncset.done $0x0  }
0x1f: {  	[sflag:s29] =	ssyncadd.s32 $0xFFFFD8F0  }
0x20: {  	_ =	swait.ge [sflag:s29], $0x2710  }
0x21: {  	[sflag:s29] =	ssyncset.done $0x0  }
0x22: {  	[sflag:s29] =	ssyncadd.s32 $0xFFFFD8F0  }
0x23: {  	_ =	swait.ge [sflag:s29], $0x4E20  }
0x24: {  	[sflag:s29] =	ssyncset.done $0x0  }
0x25: {  	[sflag:s29] =	ssyncadd.s32 $0xFFFFB1E0  }
0x26: {  	_ =	swait.ge [sflag:s29], $0x4E20  }
0x27: {  	[sflag:s29] =	ssyncset.done $0x0  }
0x28: {  	s30 =	simm.s32 $0x4F20;
	[sflag:s29] =	ssyncadd.s32 $0xFFFFB1E0  }
0x29: {  	s1 =	simm.s32 $0x9DA0;
	v4 =	vld [tilespmem:s30+$0x20]  }
0x2a: {  	v0 =	vld [tilespmem:s1+$0x20];
	_ =	sdelay $0x1  }
0x2b: {  	v10 =	vld [tilespmem:s30+$0xFFFFFFF0]  }
0x2c: {  	v1 =	vld [tilespmem:s1+$0xFFFFFFE0]  }
0x2d: {  	v2 =	vld [tilespmem:s1+$0xFFFFFFF0]  }
0x2e: {  	v11 =	vld [tilespmem:s30+$0x0]  }
0x2f: {  	s4 =	simm.s32 $0x0;
	v5 =	vld [tilespmem:s1+$0x0]  }
0x30: {  	s5 =	simm.s32 $0x2780;
	v3 =	vld.idx.msk [tilespmem:v4+s4+$0x0], $0xffff  }
0x31: {  	v0 =	vld.idx.msk [tilespmem:v0+s5+$0x0], $0xffff  }
0x32: {  	v6 =	vld [tilespmem:s1+$0x10]  }
0x33: {  	v12 =	vld [tilespmem:s30+$0x10]  }
0x34: {  	v9 =	vld [tilespmem:s30+$0xFFFFFFE0]  }
0x35: {  	v1 =	vld.idx.msk [tilespmem:v1+s5+$0x0], $0xffff  }
0x36: {  	v2 =	vld.idx.msk [tilespmem:v2+s5+$0x0], $0xffff;
	v0 =	vadd.f32 v0, v3  }
0x37: {  	v8 =	vld.idx.msk [tilespmem:v11+s4+$0x0], $0xffff  }
0x38: {  	v3 =	vld.idx.msk [tilespmem:v10+s4+$0x0], $0xffff;
	v7 =	vmul.f32 $2.000000030e-01, v0  }
0x39: {  	v5 =	vld.idx.msk [tilespmem:v5+s5+$0x0], $0xffff  }
0x3a: {  	v6 =	vld.idx.msk [tilespmem:v6+s5+$0x0], $0xffff;
	v0 =	vmax.f32 v0, v7  }
0x3b: {  	v7 =	vld.idx.msk [tilespmem:v12+s4+$0x0], $0xffff;
	v0 =	vmul.f32 $1.442695020e+00, v0  }
0x3c: {  	s31 =	simm.s32 $0x4F70;
	v13 =	vld.idx.msk [tilespmem:v9+s4+$0x0], $0xffff  }
0x3d: {  	s9 =	simm.s32 $0x9DF0;
	v3 =	vadd.f32 v2, v3;
	v2 =	vld [tilespmem:s31+$0x20];
	(erf) = vpow2.f32 v0  }
0x3e: {  	v15 =	vld [tilespmem:s9+$0xFFFFFFE0]  }
0x3f: {  	v5 =	vadd.f32 v5, v8;
	v0 =	vld [tilespmem:s31+$0xFFFFFFF0]  }
0x40: {  	v8 =	vmul.f32 $2.000000030e-01, v3;
	v6 =	vadd.f32 v6, v7;
	v7 =	vld [tilespmem:s9+$0x20]  }
0x41: {  	v59 =	vld [tilespmem:s9+$0x10];
	v13 =	vadd.f32 v1, v13;
	v14 =	vmul.f32 $2.000000030e-01, v5  }
0x42: {  	v1 =	vmax.f32 v3, v8;
	v8 =	vld [tilespmem:s9+$0xFFFFFFF0];
	v3 =	vmul.f32 $2.000000030e-01, v6  }
0x43: {  	v56 =	vmul.f32 $2.000000030e-01, v13;
	v5 =	vmax.f32 v5, v14;
	v16 =	vmul.f32 $1.442695020e+00, v1;
	v1 =	vld [tilespmem:s31+$0x0]  }
0x44: {  	v5 =	vmul.f32 $1.442695020e+00, v5;
	v3 =	vmax.f32 v6, v3;
	v6 =	vld [tilespmem:s9+$0x0]  }
0x45: {  	v13 =	vmax.f32 v13, v56;
	(erf) = vpow2.f32 v16;
	v17 =	vld.idx.msk [tilespmem:v2+s4+$0x0], $0xffff;
	v57 =	vmul.f32 $1.442695020e+00, v3  }
0x46: {  	v13 =	vmul.f32 $1.442695020e+00, v13;
	v3 =	vld [tilespmem:s31+$0x10];
	v58 =	vpop (erf);
	(erf) = vpow2.f32 v5  }
0x47: {  	s8 =	simm.s32 $0xEC20;
	v60 =	vld.idx.msk [tilespmem:v0+s4+$0x0], $0xffff;
	(erf) = vpow2.f32 v57  }
0x48: {  	s7 =	simm.s32 $0x13A80;
	[tilespmem:s8+$0x20] =	vst v58;
	v7 =	vld.idx.msk [tilespmem:v7+s5+$0x0], $0xffff;
	(erf) = vpow2.f32 v13  }
0x49: {  	[tilespmem:v4+s7+$0x0] =	vst.idx.add.f32.msk $0xffff, v58  }
0x4a: {  	v4 =	vld [tilespmem:s31+$0xFFFFFFE0]  }
0x4b: {  	v5 =	vld.idx.msk [tilespmem:v15+s5+$0x0], $0xffff  }
0x4c: {  	v61 =	vld.idx.msk [tilespmem:v8+s5+$0x0], $0xffff  }
0x4d: {  	v8 =	vld.idx.msk [tilespmem:v59+s5+$0x0], $0xffff  }
0x4e: {  	v18 =	vld.idx.msk [tilespmem:v1+s4+$0x0], $0xffff;
	v62 =	vpop (erf);
	v17 =	vadd.f32 v7, v17  }
0x4f: {  	v20 =	vld.idx.msk [tilespmem:v6+s5+$0x0], $0xffff;
	[tilespmem:s8+$0xFFFFFFF0] =	vst v62;
	v19 =	vpop (erf)  }
0x50: {  	[tilespmem:v10+s7+$0x0] =	vst.idx.add.f32.msk $0xffff, v62;
	v23 =	vmul.f32 $2.000000030e-01, v17;
	v21 =	vpop (erf)  }
0x51: {  	v6 =	vld.idx.msk [tilespmem:v3+s4+$0x0], $0xffff;
	[tilespmem:s8+$0x0] =	vst v19;
	v22 =	vpop (erf)  }
0x52: {  	v7 =	vld.idx.msk [tilespmem:v4+s4+$0x0], $0xffff;
	v63 =	vmax.f32 v17, v23;
	[tilespmem:s8+$0xFFFFFFE0] =	vst v22  }
0x53: {  	v13 =	vmul.f32 $1.442695020e+00, v63;
	[tilespmem:v9+s7+$0x0] =	vst.idx.add.f32.msk $0xffff, v22;
	v9 =	vadd.f32 v61, v60  }
0x54: {  	[tilespmem:s8+$0x10] =	vst v21  }
0x55: {  	v10 =	vadd.f32 v20, v18;
	[tilespmem:v11+s7+$0x0] =	vst.idx.add.f32.msk $0xffff, v19;
	(erf) = vpow2.f32 v13;
	v11 =	vmul.f32 $2.000000030e-01, v9  }
0x56: {  	s0 =	simm.s32 $0x50;
	s1 =	simm.s32 $0x4FC0;
	[tilespmem:v12+s7+$0x0] =	vst.idx.add.f32.msk $0xffff, v21  }
.LBB2_3:
0x57: {  	v12 =	vld [tilespmem:s1+$0x20];
	v9 =	vmax.f32 v9, v11;
	v11 =	vmul.f32 $2.000000030e-01, v10;
	v6 =	vadd.f32 v8, v6  }
0x58: {  	v5 =	vadd.f32 v5, v7;
	s9 =	sadd.s32 $0x50, s9;
	v13 =	vld [tilespmem:s1+$0xFFFFFFF0];
	v7 =	vmul.f32 $1.442695020e+00, v9  }
0x59: {  	v8 =	vld [tilespmem:s9+$0x20];
	v9 =	vmax.f32 v10, v11;
	v10 =	vmul.f32 $2.000000030e-01, v6  }
0x5a: {  	s0 =	sadd.s32 $0x50, s0;
	v14 =	vmul.f32 $2.000000030e-01, v5;
	v11 =	vld [tilespmem:s9+$0xFFFFFFE0];
	(erf) = vpow2.f32 v7  }
0x5b: {  	p0 =	slt.u32 s0, $0x4DD0;
	v9 =	vmul.f32 $1.442695020e+00, v9;
	v7 =	vld [tilespmem:s9+$0xFFFFFFF0];
	v6 =	vmax.f32 v6, v10  }
0x5c: {  	v5 =	vmax.f32 v5, v14;
	v15 =	vld [tilespmem:s1+$0x0];
	v16 =	vmul.f32 $1.442695020e+00, v6  }
0x5d: {  	v5 =	vmul.f32 $1.442695020e+00, v5;
	v10 =	vld [tilespmem:s9+$0x0];
	(erf) = vpow2.f32 v9  }
0x5e: {  	s8 =	sadd.s32 $0x50, s8;
	v14 =	vld [tilespmem:s1+$0x10];
	(erf) = vpow2.f32 v16;
	v6 =	vpop (erf)  }
0x5f: {  	v9 =	vld.idx.msk [tilespmem:v12+s4+$0x0], $0xffff;
	[tilespmem:s8+$0x20] =	vst v6;
	(erf) = vpow2.f32 v5  }
0x60: {  	[tilespmem:v2+s7+$0x0] =	vst.idx.add.f32.msk $0xffff, v6;
	v2 =	vmov v12  }
0x61: {  	v6 =	vld.idx.msk [tilespmem:v8+s5+$0x0], $0xffff  }
0x62: {  	v8 =	vld [tilespmem:s9+$0x10]  }
0x63: {  	v12 =	vld [tilespmem:s1+$0xFFFFFFE0];
	v16 =	vpop (erf)  }
0x64: {  	v5 =	vld.idx.msk [tilespmem:v11+s5+$0x0], $0xffff;
	[tilespmem:s8+$0xFFFFFFF0] =	vst v16  }
0x65: {  	v11 =	vld.idx.msk [tilespmem:v13+s4+$0x0], $0xffff  }
0x66: {  	v17 =	vld.idx.msk [tilespmem:v7+s5+$0x0], $0xffff;
	v18 =	vpop (erf)  }
0x67: {  	v9 =	vadd.f32 v6, v9;
	v19 =	vld.idx.msk [tilespmem:v15+s4+$0x0], $0xffff;
	[tilespmem:s8+$0x0] =	vst v18;
	v20 =	vpop (erf)  }
0x68: {  	v10 =	vld.idx.msk [tilespmem:v10+s5+$0x0], $0xffff;
	[tilespmem:s8+$0x10] =	vst v20;
	v21 =	vpop (erf)  }
0x69: {  	v22 =	vmul.f32 $2.000000030e-01, v9;
	v6 =	vld.idx.msk [tilespmem:v14+s4+$0x0], $0xffff;
	[tilespmem:s8+$0xFFFFFFE0] =	vst v21  }
0x6a: {  	v8 =	vld.idx.msk [tilespmem:v8+s5+$0x0], $0xffff  }
.Ltmp1:
0x6b: {  	v22 =	vmax.f32 v9, v22;
	v7 =	vld.idx.msk [tilespmem:v12+s4+$0x0], $0xffff;
	(pc) =	sbr.rel @p0 .LBB2_3-.Ltmp1, $4  }
0x6c: {  	v9 =	vadd.f32 v17, v11;
	v17 =	vmul.f32 $1.442695020e+00, v22;
	[tilespmem:v4+s7+$0x0] =	vst.idx.add.f32.msk $0xffff, v21;
	v4 =	vmov v12  }
0x6d: {  	[tilespmem:v0+s7+$0x0] =	vst.idx.add.f32.msk $0xffff, v16;
	v0 =	vmov v13  }
0x6e: {  	v11 =	vmul.f32 $2.000000030e-01, v9;
	v10 =	vadd.f32 v10, v19;
	(erf) = vpow2.f32 v17;
	[tilespmem:v1+s7+$0x0] =	vst.idx.add.f32.msk $0xffff, v18;
	v1 =	vmovc v15  }
0x6f: {  	s1 =	sadd.s32 $0x50, s1;
	[tilespmem:v3+s7+$0x0] =	vst.idx.add.f32.msk $0xffff, v20;
	v3 =	vmov v14  }
0x70: {  	v6 =	vadd.f32 v8, v6  }
0x71: {  	v8 =	vmul.f32 $2.000000030e-01, v10  }
0x72: {  	v5 =	vadd.f32 v5, v7;
	v7 =	vmax.f32 v9, v11;
	v61 =	vmul.f32 $2.000000030e-01, v6  }
0x73: {  	v7 =	vmul.f32 $1.442695020e+00, v7;
	v8 =	vmax.f32 v10, v8  }
0x74: {  	v62 =	vmul.f32 $2.000000030e-01, v5;
	v8 =	vmul.f32 $1.442695020e+00, v8;
	v6 =	vmax.f32 v6, v61  }
0x75: {  	(erf) = vpow2.f32 v7;
	v6 =	vmul.f32 $1.442695020e+00, v6  }
0x76: {  	v5 =	vmax.f32 v5, v62;
	(erf) = vpow2.f32 v8  }
0x77: {  	v5 =	vmul.f32 $1.442695020e+00, v5;
	(erf) = vpow2.f32 v6;
	_ =	sdelay $0x1  }
0x78: {  	(erf) = vpow2.f32 v5;
	_ =	sdelay $0x2  }
0x79: {  	s0 =	sadd.s32 $0x50, s8;
	v5 =	vpop (erf)  }
0x7a: {  	[tilespmem:s0+$0x20] =	vst v5  }
0x7b: {  	[tilespmem:v2+s7+$0x0] =	vst.idx.add.f32.msk $0xffff, v5;
	v2 =	vpop (erf)  }
0x7c: {  	[tilespmem:s0+$0xFFFFFFF0] =	vst v2;
	v5 =	vpop (erf)  }
0x7d: {  	[tilespmem:s0+$0x0] =	vst v5;
	v6 =	vpop (erf)  }
0x7e: {  	s1 =	sshrl.u32 s10, $0x3;
	[tilespmem:s0+$0x10] =	vst v6  }
0x7f: {  	v7 =	vpop (erf);
	[dreg:$0xb] =	wrdreg s1  }
0x80: {  	[tilespmem:s0+$0xFFFFFFE0] =	vst v7  }
0x81: {  	s1 =	smul.u32 $0x50000, s1;
	[tilespmem:v0+s7+$0x0] =	vst.idx.add.f32.msk $0xffff, v2  }
0x82: {  	s26 =	sshll.u32 s10, $0x7;
	[tilespmem:v1+s7+$0x0] =	vst.idx.add.f32.msk $0xffff, v5  }
0x83: {  	s29 =	simm.s32 $0x80;
	s2 =	sand.u32 $0x380, s26;
	[tilespmem:v4+s7+$0x0] =	vst.idx.add.f32.msk $0xffff, v7;
	s1 =	sshrl.u32 s1, $0x2  }
0x84: {  	s30 =	simm.s32 $0x400;
	s28 =	sadd.s32 s1, s6;
	[dreg:$0xc] =	wrdreg s2  }
0x85: {  	s3 =	simm.s32 $0x13A80;
	s31 =	simm.s32 $0x2;
	s0 =	sadd.s32 s2, s28;
	[tilespmem:v3+s7+$0x0] =	vst.idx.add.f32.msk $0xffff, v6  }
0x86: {  	[spmem:s0] =	stream.strided.scatter [tilespmem:s3], [sflag:$0x2], $0x2800, s30, s29, $0x38;
	[tilespmem:$0x1DD00] =	vst v63  }
0x87: {  	s2 =	smul.u32 $0x5000, s10;
	_ =	swait.ge [sflag:s31], $0x2800  }
0x88: {  	[sflag:s31] =	ssyncset.done $0x0  }
0x89: {  	s1 =	sshrl.u32 s2, $0x2;
	[sflag:s31] =	ssyncadd.s32 $0xFFFFD800  }
0x8a: {  	s3 =	simm.s32 $0x18A80;
	s6 =	sadd.s32 s1, s6;
	[bflag:$0x0] =	sbarrier.arrive $0xFFFF  }
0x8b: {  	[tilespmem:s3], [sflag:$0x1] =	stream.linear.gather [spmem:s6], $0x80, $0x38;
	[tilespmem:$0x1DD00] =	vst v63  }
0x8c: {  	s5 =	simm.s32 $0x18E80;
	s4 =	sadd.s32 $0x400, s6  }
0x8d: {  	[tilespmem:s5], [sflag:$0x1] =	stream.linear.gather [spmem:s4], $0x80, $0x38;
	[tilespmem:$0x1DD00] =	vst v63  }
0x8e: {  	s8 =	simm.s32 $0x19280;
	s7 =	sadd.s32 $0x800, s6  }
0x8f: {  	[tilespmem:s8], [sflag:$0x1] =	stream.linear.gather [spmem:s7], $0x80, $0x38;
	[tilespmem:$0x1DD00] =	vst v63  }
0x90: {  	s10 =	simm.s32 $0x19680;
	s9 =	sadd.s32 $0xC00, s6  }
0x91: {  	[tilespmem:s10], [sflag:$0x1] =	stream.linear.gather [spmem:s9], $0x80, $0x38;
	[tilespmem:$0x1DD00] =	vst v63  }
0x92: {  	s12 =	simm.s32 $0x19A80;
	s11 =	sadd.s32 $0x1000, s6  }
0x93: {  	[tilespmem:s12], [sflag:$0x1] =	stream.linear.gather [spmem:s11], $0x80, $0x38;
	[tilespmem:$0x1DD00] =	vst v63  }
0x94: {  	s14 =	simm.s32 $0x18B00;
	s13 =	sadd.s32 $0x80, s6  }
0x95: {  	[tilespmem:s14], [sflag:$0x1] =	stream.linear.gather [spmem:s13], $0x80, $0x38;
	[tilespmem:$0x1DD00] =	vst v63  }
0x96: {  	s16 =	simm.s32 $0x18F00;
	s15 =	sadd.s32 $0x480, s6  }
0x97: {  	[tilespmem:s16], [sflag:$0x1] =	stream.linear.gather [spmem:s15], $0x80, $0x38;
	[tilespmem:$0x1DD00] =	vst v63  }
0x98: {  	s18 =	simm.s32 $0x19300;
	s17 =	sadd.s32 $0x880, s6  }
0x99: {  	[tilespmem:s18], [sflag:$0x1] =	stream.linear.gather [spmem:s17], $0x80, $0x38;
	[tilespmem:$0x1DD00] =	vst v63  }
0x9a: {  	s20 =	simm.s32 $0x19700;
	s19 =	sadd.s32 $0xC80, s6  }
0x9b: {  	[tilespmem:s20], [sflag:$0x1] =	stream.linear.gather [spmem:s19], $0x80, $0x38;
	[tilespmem:$0x1DD00] =	vst v63  }
0x9c: {  	s22 =	simm.s32 $0x19B00;
	s21 =	sadd.s32 $0x1080, s6  }
0x9d: {  	[tilespmem:s22], [sflag:$0x1] =	stream.linear.gather [spmem:s21], $0x80, $0x38;
	[tilespmem:$0x1DD00] =	vst v63  }
0x9e: {  	s24 =	simm.s32 $0x18B80;
	s23 =	sadd.s32 $0x100, s6  }
0x9f: {  	[tilespmem:s24], [sflag:$0x1] =	stream.linear.gather [spmem:s23], $0x80, $0x38;
	[tilespmem:$0x1DD00] =	vst v63  }
0xa0: {  	s26 =	simm.s32 $0x18F80;
	s25 =	sadd.s32 $0x500, s6  }
0xa1: {  	[tilespmem:s26], [sflag:$0x1] =	stream.linear.gather [spmem:s25], $0x80, $0x38;
	[tilespmem:$0x1DD00] =	vst v63  }
0xa2: {  	s29 =	simm.s32 $0x19380;
	s28 =	sadd.s32 $0x900, s6  }
0xa3: {  	[tilespmem:s29], [sflag:$0x1] =	stream.linear.gather [spmem:s28], $0x80, $0x38;
	[tilespmem:$0x1DD00] =	vst v63  }
0xa4: {  	s30 =	sadd.s32 $0xD00, s6;
	s31 =	simm.s32 $0x19780  }
0xa5: {  	[tilespmem:s31], [sflag:$0x1] =	stream.linear.gather [spmem:s30], $0x80, $0x38;
	[tilespmem:$0x1DD00] =	vst v63  }
0xa6: {  	s2 =	sadd.s32 $0x1100, s6;
	s3 =	simm.s32 $0x19B80  }
0xa7: {  	[tilespmem:s3], [sflag:$0x1] =	stream.linear.gather [spmem:s2], $0x80, $0x38;
	[tilespmem:$0x1DD00] =	vst v63  }
0xa8: {  	s4 =	sadd.s32 $0x180, s6;
	s5 =	simm.s32 $0x18C00  }
0xa9: {  	[tilespmem:s5], [sflag:$0x1] =	stream.linear.gather [spmem:s4], $0x80, $0x38;
	[tilespmem:$0x1DD00] =	vst v63  }
0xaa: {  	s7 =	sadd.s32 $0x580, s6;
	s8 =	simm.s32 $0x19000  }
0xab: {  	[tilespmem:s8], [sflag:$0x1] =	stream.linear.gather [spmem:s7], $0x80, $0x38;
	[tilespmem:$0x1DD00] =	vst v63  }
0xac: {  	s9 =	sadd.s32 $0x980, s6;
	s10 =	simm.s32 $0x19400  }
0xad: {  	[tilespmem:s10], [sflag:$0x1] =	stream.linear.gather [spmem:s9], $0x80, $0x38;
	[tilespmem:$0x1DD00] =	vst v63  }
0xae: {  	s11 =	sadd.s32 $0xD80, s6;
	s12 =	simm.s32 $0x19800  }
0xaf: {  	[tilespmem:s12], [sflag:$0x1] =	stream.linear.gather [spmem:s11], $0x80, $0x38;
	[tilespmem:$0x1DD00] =	vst v63  }
0xb0: {  	s13 =	sadd.s32 $0x1180, s6;
	s14 =	simm.s32 $0x19C00  }
0xb1: {  	[tilespmem:s14], [sflag:$0x1] =	stream.linear.gather [spmem:s13], $0x80, $0x38;
	[tilespmem:$0x1DD00] =	vst v63  }
0xb2: {  	s15 =	sadd.s32 $0x200, s6;
	s16 =	simm.s32 $0x18C80  }
0xb3: {  	[tilespmem:s16], [sflag:$0x1] =	stream.linear.gather [spmem:s15], $0x80, $0x38;
	[tilespmem:$0x1DD00] =	vst v63  }
0xb4: {  	s17 =	sadd.s32 $0x600, s6;
	s18 =	simm.s32 $0x19080  }
0xb5: {  	[tilespmem:s18], [sflag:$0x1] =	stream.linear.gather [spmem:s17], $0x80, $0x38;
	[tilespmem:$0x1DD00] =	vst v63  }
0xb6: {  	s19 =	sadd.s32 $0xA00, s6;
	s20 =	simm.s32 $0x19480  }
0xb7: {  	[tilespmem:s20], [sflag:$0x1] =	stream.linear.gather [spmem:s19], $0x80, $0x38;
	[tilespmem:$0x1DD00] =	vst v63  }
0xb8: {  	s21 =	sadd.s32 $0xE00, s6;
	s22 =	simm.s32 $0x19880  }
0xb9: {  	[tilespmem:s22], [sflag:$0x1] =	stream.linear.gather [spmem:s21], $0x80, $0x38;
	[tilespmem:$0x1DD00] =	vst v63  }
0xba: {  	s23 =	sadd.s32 $0x1200, s6;
	s24 =	simm.s32 $0x19C80  }
0xbb: {  	[tilespmem:s24], [sflag:$0x1] =	stream.linear.gather [spmem:s23], $0x80, $0x38;
	[tilespmem:$0x1DD00] =	vst v63  }
0xbc: {  	s25 =	sadd.s32 $0x280, s6;
	s26 =	simm.s32 $0x18D00  }
0xbd: {  	[tilespmem:s26], [sflag:$0x1] =	stream.linear.gather [spmem:s25], $0x80, $0x38;
	[tilespmem:$0x1DD00] =	vst v63  }
0xbe: {  	s28 =	sadd.s32 $0x680, s6;
	s29 =	simm.s32 $0x19100  }
0xbf: {  	[tilespmem:s29], [sflag:$0x1] =	stream.linear.gather [spmem:s28], $0x80, $0x38;
	[tilespmem:$0x1DD00] =	vst v63  }
0xc0: {  	s30 =	sadd.s32 $0xA80, s6;
	s31 =	simm.s32 $0x19500  }
0xc1: {  	[tilespmem:s31], [sflag:$0x1] =	stream.linear.gather [spmem:s30], $0x80, $0x38;
	[tilespmem:$0x1DD00] =	vst v63  }
0xc2: {  	s2 =	sadd.s32 $0xE80, s6;
	s3 =	simm.s32 $0x19900  }
0xc3: {  	[tilespmem:s3], [sflag:$0x1] =	stream.linear.gather [spmem:s2], $0x80, $0x38;
	[tilespmem:$0x1DD00] =	vst v63  }
0xc4: {  	s4 =	sadd.s32 $0x1280, s6;
	s5 =	simm.s32 $0x19D00  }
0xc5: {  	[tilespmem:s5], [sflag:$0x1] =	stream.linear.gather [spmem:s4], $0x80, $0x38;
	[tilespmem:$0x1DD00] =	vst v63  }
0xc6: {  	s7 =	sadd.s32 $0x300, s6;
	s8 =	simm.s32 $0x18D80  }
0xc7: {  	[tilespmem:s8], [sflag:$0x1] =	stream.linear.gather [spmem:s7], $0x80, $0x38;
	[tilespmem:$0x1DD00] =	vst v63  }
0xc8: {  	s9 =	sadd.s32 $0x700, s6;
	s10 =	simm.s32 $0x19180  }
0xc9: {  	[tilespmem:s10], [sflag:$0x1] =	stream.linear.gather [spmem:s9], $0x80, $0x38;
	[tilespmem:$0x1DD00] =	vst v63  }
0xca: {  	s11 =	sadd.s32 $0xB00, s6;
	s12 =	simm.s32 $0x19580  }
0xcb: {  	[tilespmem:s12], [sflag:$0x1] =	stream.linear.gather [spmem:s11], $0x80, $0x38;
	[tilespmem:$0x1DD00] =	vst v63  }
0xcc: {  	s13 =	sadd.s32 $0xF00, s6;
	s14 =	simm.s32 $0x19980  }
0xcd: {  	[tilespmem:s14], [sflag:$0x1] =	stream.linear.gather [spmem:s13], $0x80, $0x38;
	[tilespmem:$0x1DD00] =	vst v63  }
0xce: {  	s15 =	sadd.s32 $0x1300, s6;
	s16 =	simm.s32 $0x19D80  }
0xcf: {  	[tilespmem:s16], [sflag:$0x1] =	stream.linear.gather [spmem:s15], $0x80, $0x38;
	[tilespmem:$0x1DD00] =	vst v63  }
0xd0: {  	s17 =	sadd.s32 $0x380, s6;
	s18 =	simm.s32 $0x18E00  }
0xd1: {  	[tilespmem:s18], [sflag:$0x1] =	stream.linear.gather [spmem:s17], $0x80, $0x38;
	[tilespmem:$0x1DD00] =	vst v63  }
0xd2: {  	s19 =	sadd.s32 $0x780, s6;
	s20 =	simm.s32 $0x19200  }
0xd3: {  	[tilespmem:s20], [sflag:$0x1] =	stream.linear.gather [spmem:s19], $0x80, $0x38;
	[tilespmem:$0x1DD00] =	vst v63  }
0xd4: {  	s21 =	sadd.s32 $0xB80, s6;
	s22 =	simm.s32 $0x19600  }
0xd5: {  	[tilespmem:s22], [sflag:$0x1] =	stream.linear.gather [spmem:s21], $0x80, $0x38;
	[tilespmem:$0x1DD00] =	vst v63  }
0xd6: {  	s23 =	sadd.s32 $0xF80, s6;
	s24 =	simm.s32 $0x19A00  }
0xd7: {  	[tilespmem:s24], [sflag:$0x1] =	stream.linear.gather [spmem:s23], $0x80, $0x38;
	[tilespmem:$0x1DD00] =	vst v63  }
0xd8: {  	s25 =	sadd.s32 $0x1380, s6;
	s26 =	simm.s32 $0x19E00  }
0xd9: {  	[tilespmem:s26], [sflag:$0x1] =	stream.linear.gather [spmem:s25], $0x80, $0x38;
	[tilespmem:$0x1DD00] =	vst v63  }
0xda: {  	s28 =	sadd.s32 $0x14000, s6;
	s29 =	simm.s32 $0x19E80  }
0xdb: {  	[tilespmem:s29], [sflag:$0x1] =	stream.linear.gather [spmem:s28], $0x80, $0x38;
	[tilespmem:$0x1DD00] =	vst v63  }
0xdc: {  	s30 =	sadd.s32 $0x14400, s6;
	s31 =	simm.s32 $0x1A280  }
0xdd: {  	[tilespmem:s31], [sflag:$0x1] =	stream.linear.gather [spmem:s30], $0x80, $0x38;
	[tilespmem:$0x1DD00] =	vst v63  }
0xde: {  	s2 =	sadd.s32 $0x14800, s6;
	s3 =	simm.s32 $0x1A680  }
0xdf: {  	[tilespmem:s3], [sflag:$0x1] =	stream.linear.gather [spmem:s2], $0x80, $0x38;
	[tilespmem:$0x1DD00] =	vst v63  }
0xe0: {  	s4 =	sadd.s32 $0x14C00, s6;
	s5 =	simm.s32 $0x1AA80  }
0xe1: {  	[tilespmem:s5], [sflag:$0x1] =	stream.linear.gather [spmem:s4], $0x80, $0x38;
	[tilespmem:$0x1DD00] =	vst v63  }
0xe2: {  	s7 =	sadd.s32 $0x15000, s6;
	s8 =	simm.s32 $0x1AE80  }
0xe3: {  	[tilespmem:s8], [sflag:$0x1] =	stream.linear.gather [spmem:s7], $0x80, $0x38;
	[tilespmem:$0x1DD00] =	vst v63  }
0xe4: {  	s9 =	sadd.s32 $0x14080, s6;
	s10 =	simm.s32 $0x19F00  }
0xe5: {  	[tilespmem:s10], [sflag:$0x1] =	stream.linear.gather [spmem:s9], $0x80, $0x38;
	[tilespmem:$0x1DD00] =	vst v63  }
0xe6: {  	s11 =	sadd.s32 $0x14480, s6;
	s12 =	simm.s32 $0x1A300  }
0xe7: {  	[tilespmem:s12], [sflag:$0x1] =	stream.linear.gather [spmem:s11], $0x80, $0x38;
	[tilespmem:$0x1DD00] =	vst v63  }
0xe8: {  	s13 =	sadd.s32 $0x14880, s6;
	s14 =	simm.s32 $0x1A700  }
0xe9: {  	[tilespmem:s14], [sflag:$0x1] =	stream.linear.gather [spmem:s13], $0x80, $0x38;
	[tilespmem:$0x1DD00] =	vst v63  }
0xea: {  	s15 =	sadd.s32 $0x14C80, s6;
	s16 =	simm.s32 $0x1AB00  }
0xeb: {  	[tilespmem:s16], [sflag:$0x1] =	stream.linear.gather [spmem:s15], $0x80, $0x38;
	[tilespmem:$0x1DD00] =	vst v63  }
0xec: {  	s17 =	sadd.s32 $0x15080, s6;
	s18 =	simm.s32 $0x1AF00  }
0xed: {  	[tilespmem:s18], [sflag:$0x1] =	stream.linear.gather [spmem:s17], $0x80, $0x38;
	[tilespmem:$0x1DD00] =	vst v63  }
0xee: {  	s19 =	sadd.s32 $0x14100, s6;
	s20 =	simm.s32 $0x19F80  }
0xef: {  	[tilespmem:s20], [sflag:$0x1] =	stream.linear.gather [spmem:s19], $0x80, $0x38;
	[tilespmem:$0x1DD00] =	vst v63  }
0xf0: {  	s21 =	sadd.s32 $0x14500, s6;
	s22 =	simm.s32 $0x1A380  }
0xf1: {  	[tilespmem:s22], [sflag:$0x1] =	stream.linear.gather [spmem:s21], $0x80, $0x38;
	[tilespmem:$0x1DD00] =	vst v63  }
0xf2: {  	s23 =	sadd.s32 $0x14900, s6;
	s24 =	simm.s32 $0x1A780  }
0xf3: {  	[tilespmem:s24], [sflag:$0x1] =	stream.linear.gather [spmem:s23], $0x80, $0x38;
	[tilespmem:$0x1DD00] =	vst v63  }
0xf4: {  	s25 =	sadd.s32 $0x14D00, s6;
	s26 =	simm.s32 $0x1AB80  }
0xf5: {  	[tilespmem:s26], [sflag:$0x1] =	stream.linear.gather [spmem:s25], $0x80, $0x38;
	[tilespmem:$0x1DD00] =	vst v63  }
0xf6: {  	s28 =	sadd.s32 $0x15100, s6;
	s29 =	simm.s32 $0x1AF80  }
0xf7: {  	[tilespmem:s29], [sflag:$0x1] =	stream.linear.gather [spmem:s28], $0x80, $0x38;
	[tilespmem:$0x1DD00] =	vst v63  }
0xf8: {  	s30 =	sadd.s32 $0x14180, s6;
	s31 =	simm.s32 $0x1A000  }
0xf9: {  	[tilespmem:s31], [sflag:$0x1] =	stream.linear.gather [spmem:s30], $0x80, $0x38;
	[tilespmem:$0x1DD00] =	vst v63  }
0xfa: {  	s2 =	sadd.s32 $0x14580, s6;
	s3 =	simm.s32 $0x1A400  }
0xfb: {  	[tilespmem:s3], [sflag:$0x1] =	stream.linear.gather [spmem:s2], $0x80, $0x38;
	[tilespmem:$0x1DD00] =	vst v63  }
0xfc: {  	s4 =	sadd.s32 $0x14980, s6;
	s5 =	simm.s32 $0x1A800  }
0xfd: {  	[tilespmem:s5], [sflag:$0x1] =	stream.linear.gather [spmem:s4], $0x80, $0x38;
	[tilespmem:$0x1DD00] =	vst v63  }
0xfe: {  	s7 =	sadd.s32 $0x14D80, s6;
	s8 =	simm.s32 $0x1AC00  }
0xff: {  	[tilespmem:s8], [sflag:$0x1] =	stream.linear.gather [spmem:s7], $0x80, $0x38;
	[tilespmem:$0x1DD00] =	vst v63  }
0x100: {  	s9 =	sadd.s32 $0x15180, s6;
	s10 =	simm.s32 $0x1B000  }
0x101: {  	[tilespmem:s10], [sflag:$0x1] =	stream.linear.gather [spmem:s9], $0x80, $0x38;
	[tilespmem:$0x1DD00] =	vst v63  }
0x102: {  	s11 =	sadd.s32 $0x14200, s6;
	s12 =	simm.s32 $0x1A080  }
0x103: {  	[tilespmem:s12], [sflag:$0x1] =	stream.linear.gather [spmem:s11], $0x80, $0x38;
	[tilespmem:$0x1DD00] =	vst v63  }
0x104: {  	s13 =	sadd.s32 $0x14600, s6;
	s14 =	simm.s32 $0x1A480  }
0x105: {  	[tilespmem:s14], [sflag:$0x1] =	stream.linear.gather [spmem:s13], $0x80, $0x38;
	[tilespmem:$0x1DD00] =	vst v63  }
0x106: {  	s15 =	sadd.s32 $0x14A00, s6;
	s16 =	simm.s32 $0x1A880  }
0x107: {  	[tilespmem:s16], [sflag:$0x1] =	stream.linear.gather [spmem:s15], $0x80, $0x38;
	[tilespmem:$0x1DD00] =	vst v63  }
0x108: {  	s17 =	sadd.s32 $0x14E00, s6;
	s18 =	simm.s32 $0x1AC80  }
0x109: {  	[tilespmem:s18], [sflag:$0x1] =	stream.linear.gather [spmem:s17], $0x80, $0x38;
	[tilespmem:$0x1DD00] =	vst v63  }
0x10a: {  	s19 =	sadd.s32 $0x15200, s6;
	s20 =	simm.s32 $0x1B080  }
0x10b: {  	[tilespmem:s20], [sflag:$0x1] =	stream.linear.gather [spmem:s19], $0x80, $0x38;
	[tilespmem:$0x1DD00] =	vst v63  }
0x10c: {  	s21 =	sadd.s32 $0x14280, s6;
	s22 =	simm.s32 $0x1A100  }
0x10d: {  	[tilespmem:s22], [sflag:$0x1] =	stream.linear.gather [spmem:s21], $0x80, $0x38;
	[tilespmem:$0x1DD00] =	vst v63  }
0x10e: {  	s23 =	sadd.s32 $0x14680, s6;
	s24 =	simm.s32 $0x1A500  }
0x10f: {  	[tilespmem:s24], [sflag:$0x1] =	stream.linear.gather [spmem:s23], $0x80, $0x38;
	[tilespmem:$0x1DD00] =	vst v63  }
0x110: {  	s25 =	sadd.s32 $0x14A80, s6;
	s26 =	simm.s32 $0x1A900  }
0x111: {  	[tilespmem:s26], [sflag:$0x1] =	stream.linear.gather [spmem:s25], $0x80, $0x38;
	[tilespmem:$0x1DD00] =	vst v63  }
0x112: {  	s28 =	sadd.s32 $0x14E80, s6;
	s29 =	simm.s32 $0x1AD00  }
0x113: {  	[tilespmem:s29], [sflag:$0x1] =	stream.linear.gather [spmem:s28], $0x80, $0x38;
	[tilespmem:$0x1DD00] =	vst v63  }
0x114: {  	s30 =	sadd.s32 $0x15280, s6;
	s31 =	simm.s32 $0x1B100  }
0x115: {  	[tilespmem:s31], [sflag:$0x1] =	stream.linear.gather [spmem:s30], $0x80, $0x38;
	[tilespmem:$0x1DD00] =	vst v63  }
0x116: {  	s1 =	sadd.s32 $0x14300, s6;
	s2 =	simm.s32 $0x1A180  }
0x117: {  	[tilespmem:s2], [sflag:$0x1] =	stream.linear.gather [spmem:s1], $0x80, $0x38;
	[tilespmem:$0x1DD00] =	vst v63  }
0x118: {  	s3 =	sadd.s32 $0x14700, s6;
	s4 =	simm.s32 $0x1A580  }
0x119: {  	[tilespmem:s4], [sflag:$0x1] =	stream.linear.gather [spmem:s3], $0x80, $0x38;
	[tilespmem:$0x1DD00] =	vst v63  }
0x11a: {  	s5 =	sadd.s32 $0x14B00, s6;
	s7 =	simm.s32 $0x1A980  }
0x11b: {  	[tilespmem:s7], [sflag:$0x1] =	stream.linear.gather [spmem:s5], $0x80, $0x38;
	[tilespmem:$0x1DD00] =	vst v63  }
0x11c: {  	s8 =	sadd.s32 $0x14F00, s6;
	s9 =	simm.s32 $0x1AD80  }
0x11d: {  	[tilespmem:s9], [sflag:$0x1] =	stream.linear.gather [spmem:s8], $0x80, $0x38;
	[tilespmem:$0x1DD00] =	vst v63  }
0x11e: {  	s10 =	sadd.s32 $0x15300, s6;
	s11 =	simm.s32 $0x1B180  }
0x11f: {  	[tilespmem:s11], [sflag:$0x1] =	stream.linear.gather [spmem:s10], $0x80, $0x38;
	[tilespmem:$0x1DD00] =	vst v63  }
0x120: {  	s12 =	sadd.s32 $0x14380, s6;
	s13 =	simm.s32 $0x1A200  }
0x121: {  	[tilespmem:s13], [sflag:$0x1] =	stream.linear.gather [spmem:s12], $0x80, $0x38;
	[tilespmem:$0x1DD00] =	vst v63  }
0x122: {  	s14 =	sadd.s32 $0x14780, s6;
	s15 =	simm.s32 $0x1A600  }
0x123: {  	[tilespmem:s15], [sflag:$0x1] =	stream.linear.gather [spmem:s14], $0x80, $0x38;
	[tilespmem:$0x1DD00] =	vst v63  }
0x124: {  	s16 =	sadd.s32 $0x14B80, s6;
	s17 =	simm.s32 $0x1AA00  }
0x125: {  	[tilespmem:s17], [sflag:$0x1] =	stream.linear.gather [spmem:s16], $0x80, $0x38;
	[tilespmem:$0x1DD00] =	vst v63  }
0x126: {  	s18 =	sadd.s32 $0x14F80, s6;
	s19 =	simm.s32 $0x1AE00  }
0x127: {  	[tilespmem:s19], [sflag:$0x1] =	stream.linear.gather [spmem:s18], $0x80, $0x38;
	[tilespmem:$0x1DD00] =	vst v63  }
0x128: {  	s20 =	sadd.s32 $0x15380, s6;
	s21 =	simm.s32 $0x1B200;
	s22 =	simm.s32 $0x1  }
0x129: {  	[tilespmem:s21], [sflag:$0x1] =	stream.linear.gather [spmem:s20], $0x80, $0x38;
	[tilespmem:$0x1DD00] =	vst v63  }
0x12a: {  	_ =	swait.ge [sflag:s22], $0x280  }
0x12b: {  	[sflag:s22] =	ssyncset.done $0x0  }
0x12c: {  	[sflag:s22] =	ssyncadd.s32 $0xFFFFFD80  }
0x12d: {  	_ =	swait.ge [sflag:s22], $0x280  }
0x12e: {  	[sflag:s22] =	ssyncset.done $0x0  }
0x12f: {  	[sflag:s22] =	ssyncadd.s32 $0xFFFFFD80  }
0x130: {  	_ =	swait.ge [sflag:s22], $0x280  }
0x131: {  	[sflag:s22] =	ssyncset.done $0x0  }
0x132: {  	[sflag:s22] =	ssyncadd.s32 $0xFFFFFD80  }
0x133: {  	_ =	swait.ge [sflag:s22], $0x280  }
0x134: {  	[sflag:s22] =	ssyncset.done $0x0  }
0x135: {  	[sflag:s22] =	ssyncadd.s32 $0xFFFFFD80  }
0x136: {  	_ =	swait.ge [sflag:s22], $0x280  }
0x137: {  	[sflag:s22] =	ssyncset.done $0x0  }
0x138: {  	[sflag:s22] =	ssyncadd.s32 $0xFFFFFD80  }
0x139: {  	_ =	swait.ge [sflag:s22], $0x280  }
0x13a: {  	[sflag:s22] =	ssyncset.done $0x0  }
0x13b: {  	[sflag:s22] =	ssyncadd.s32 $0xFFFFFD80  }
0x13c: {  	_ =	swait.ge [sflag:s22], $0x280  }
0x13d: {  	[sflag:s22] =	ssyncset.done $0x0  }
0x13e: {  	[sflag:s22] =	ssyncadd.s32 $0xFFFFFD80  }
0x13f: {  	_ =	swait.ge [sflag:s22], $0x280  }
0x140: {  	[sflag:s22] =	ssyncset.done $0x0  }
0x141: {  	[sflag:s22] =	ssyncadd.s32 $0xFFFFFD80  }
0x142: {  	_ =	swait.ge [sflag:s22], $0x280  }
0x143: {  	[sflag:s22] =	ssyncset.done $0x0  }
0x144: {  	[sflag:s22] =	ssyncadd.s32 $0xFFFFFD80  }
0x145: {  	_ =	swait.ge [sflag:s22], $0x280  }
0x146: {  	[sflag:s22] =	ssyncset.done $0x0  }
0x147: {  	[sflag:s22] =	ssyncadd.s32 $0xFFFFFD80  }
0x148: {  	_ =	swait.ge [sflag:s22], $0x280  }
0x149: {  	[sflag:s22] =	ssyncset.done $0x0  }
0x14a: {  	[sflag:s22] =	ssyncadd.s32 $0xFFFFFD80  }
0x14b: {  	_ =	swait.ge [sflag:s22], $0x280  }
0x14c: {  	[sflag:s22] =	ssyncset.done $0x0  }
0x14d: {  	[sflag:s22] =	ssyncadd.s32 $0xFFFFFD80  }
0x14e: {  	_ =	swait.ge [sflag:s22], $0x280  }
0x14f: {  	[sflag:s22] =	ssyncset.done $0x0  }
0x150: {  	[sflag:s22] =	ssyncadd.s32 $0xFFFFFD80  }
0x151: {  	_ =	swait.ge [sflag:s22], $0x280  }
0x152: {  	[sflag:s22] =	ssyncset.done $0x0  }
0x153: {  	[sflag:s22] =	ssyncadd.s32 $0xFFFFFD80  }
0x154: {  	_ =	swait.ge [sflag:s22], $0x280  }
0x155: {  	[sflag:s22] =	ssyncset.done $0x0  }
0x156: {  	s23 =	simm.s32 $0x0;
	s11 =	simm.s32 $0x0;
	[sflag:s22] =	ssyncadd.s32 $0xFFFFFD80  }
0x157: {  	s1 =	sand.u32 $0x1C00, s23;
	s13 =	sand.u32 $0x40, s11;
	_ =	swait.ge [sflag:s22], $0x280  }
0x158: {  	s24 =	sadd.s32 $0x18A80, s1;
	s8 =	sor.u32 $0x30, s13;
	[sflag:s22] =	ssyncset.done $0x0  }
0x159: {  	s25 =	sor.u32 s8, s24;
	[sflag:s22] =	ssyncadd.s32 $0xFFFFFD80  }
0x15a: {  	s10 =	sor.u32 $0x10, s13;
	v4 =	vld [tilespmem:s25+$0x0]  }
0x15b: {  	s26 =	sor.u32 s10, s24;
	v8 =	vld [tilespmem:s25+$0x80]  }
0x15c: {  	v9 =	vld [tilespmem:s26+$0x0]  }
0x15d: {  	v12 =	vld [tilespmem:s25+$0x100]  }
0x15e: {  	s9 =	sor.u32 $0x20, s13;
	v16 =	vld [tilespmem:s26+$0x80]  }
0x15f: {  	s4 =	sor.u32 s9, s24;
	v14 =	vld [tilespmem:s25+$0x180]  }
0x160: {  	v17 =	vld [tilespmem:s4+$0x0]  }
0x161: {  	v15 =	vld [tilespmem:s25+$0x200]  }
0x162: {  	v18 =	vld [tilespmem:s4+$0x80]  }
0x163: {  	s2 =	sor.u32 s13, s24;
	v19 =	vld [tilespmem:s25+$0x280]  }
0x164: {  	v20 =	vld [tilespmem:s2+$0x0]  }
0x165: {  	v21 =	vld [tilespmem:s25+$0x300]  }
0x166: {  	v22 =	vld [tilespmem:s2+$0x80]  }
0x167: {  	s5 =	sadd.s32 $0x19E80, s1;
	v23 =	vld [tilespmem:s25+$0x380]  }
0x168: {  	s28 =	sor.u32 s8, s5;
	v24 =	vld [tilespmem:s26+$0x100]  }
0x169: {  	s29 =	sadd.s32 $0x19F00, s1;
	v25 =	vld [tilespmem:s28+$0x0]  }
0x16a: {  	s30 =	sor.u32 s8, s29;
	v26 =	vld [tilespmem:s4+$0x100]  }
0x16b: {  	s31 =	sadd.s32 $0x19F80, s1;
	v27 =	vld [tilespmem:s30+$0x0]  }
0x16c: {  	s14 =	sor.u32 s8, s31;
	v28 =	vld [tilespmem:s2+$0x100]  }
0x16d: {  	s12 =	sor.u32 $0x1A000, s1;
	v29 =	vld [tilespmem:s14+$0x0]  }
0x16e: {  	s15 =	sor.u32 s8, s12;
	v30 =	vld [tilespmem:s26+$0x180]  }
0x16f: {  	v31 =	vld [tilespmem:s15+$0x0]  }
0x170: {  	v32 =	vld [tilespmem:s4+$0x180]  }
0x171: {  	v34 =	vld [tilespmem:s2+$0x180]  }
0x172: {  	v36 =	vld [tilespmem:s26+$0x200]  }
0x173: {  	v38 =	vld [tilespmem:s4+$0x200]  }
0x174: {  	v40 =	vld [tilespmem:s2+$0x200]  }
0x175: {  	v41 =	vld [tilespmem:s26+$0x280]  }
0x176: {  	v42 =	vld [tilespmem:s4+$0x280]  }
0x177: {  	v43 =	vld [tilespmem:s2+$0x280]  }
0x178: {  	v44 =	vld [tilespmem:s26+$0x300]  }
0x179: {  	v45 =	vld [tilespmem:s4+$0x300]  }
0x17a: {  	v46 =	vld [tilespmem:s2+$0x300]  }
0x17b: {  	v47 =	vld [tilespmem:s26+$0x380]  }
0x17c: {  	v48 =	vld [tilespmem:s4+$0x380]  }
0x17d: {  	s18 =	sor.u32 s10, s5;
	v49 =	vld [tilespmem:s2+$0x380]  }
0x17e: {  	s19 =	sor.u32 s9, s5;
	v50 =	vld [tilespmem:s18+$0x0]  }
0x17f: {  	s20 =	sor.u32 s13, s5;
	v10 =	vld [tilespmem:s19+$0x0]  }
0x180: {  	s21 =	sor.u32 s10, s29;
	v51 =	vld [tilespmem:s20+$0x0]  }
0x181: {  	s22 =	sor.u32 s9, s29;
	v52 =	vld [tilespmem:s21+$0x0]  }
0x182: {  	s23 =	sor.u32 s13, s29;
	v5 =	vld [tilespmem:s22+$0x0]  }
0x183: {  	s24 =	sor.u32 s10, s31;
	v11 =	vld [tilespmem:s23+$0x0]  }
0x184: {  	s29 =	sor.u32 s9, s12;
	v6 =	vld [tilespmem:s24+$0x0]  }
0x185: {  	s25 =	sor.u32 s9, s31;
	v0 =	vld [tilespmem:s29+$0x0]  }
0x186: {  	s26 =	sor.u32 s13, s31;
	v1 =	vld [tilespmem:s25+$0x0]  }
0x187: {  	s28 =	sor.u32 s10, s12;
	v7 =	vld [tilespmem:s26+$0x0]  }
0x188: {  	s14 =	sor.u32 $0x1A080, s1;
	s30 =	sor.u32 s13, s12;
	v2 =	vld [tilespmem:s28+$0x0]  }
0x189: {  	s15 =	sor.u32 $0x1A100, s1;
	s16 =	sor.u32 s8, s14;
	v3 =	vld [tilespmem:s30+$0x0]  }
0x18a: {  	s17 =	sor.u32 s8, s15;
	v33 =	vld [tilespmem:s16+$0x0]  }
0x18b: {  	s0 =	sor.u32 $0x1A200, s1;
	s7 =	sor.u32 s13, s15;
	v35 =	vld [tilespmem:s17+$0x0]  }
0x18c: {  	s31 =	sor.u32 s10, s14;
	s16 =	sor.u32 $0x1A180, s1;
	s1 =	sor.u32 s8, s0;
	v54 =	vld [tilespmem:s7+$0x0]  }
0x18d: {  	s3 =	sor.u32 s9, s14;
	s4 =	sor.u32 s13, s14;
	s17 =	sor.u32 s8, s16;
	v39 =	vld [tilespmem:s1+$0x0]  }
0x18e: {  	s5 =	sor.u32 s10, s15;
	s6 =	sor.u32 s9, s15;
	s12 =	sor.u32 s10, s16;
	v37 =	vld [tilespmem:s17+$0x0]  }
0x18f: {  	s14 =	sor.u32 s9, s16;
	s15 =	sor.u32 s13, s16;
	s16 =	sor.u32 s10, s0;
	v55 =	vld [tilespmem:s12+$0x0];
	v13 =	vadd.f32 v8, v4  }
0x190: {  	v56 =	vld [tilespmem:s16+$0x0]  }
0x191: {  	v8 =	vld [tilespmem:s31+$0x0];
	v53 =	vadd.f32 v12, v13  }
0x192: {  	s17 =	sor.u32 s9, s0;
	s0 =	sor.u32 s13, s0;
	v4 =	vld [tilespmem:s3+$0x0]  }
0x193: {  	v57 =	vld [tilespmem:s0+$0x0];
	v53 =	vadd.f32 v14, v53  }
0x194: {  	v13 =	vld [tilespmem:s5+$0x0]  }
0x195: {  	s5 =	simm.s32 $0x200;
	v14 =	vld [tilespmem:s6+$0x0];
	s6 =	simm.s32 $0x40;
	v53 =	vadd.f32 v15, v53  }
0x196: {  	v12 =	vld [tilespmem:s4+$0x0];
	s18 =	sand.u32 $0x1C00, s5;
	s12 =	sand.u32 $0x40, s6  }
0x197: {  	s1 =	sadd.s32 $0x18A80, s18;
	v15 =	vld [tilespmem:s14+$0x0];
	s14 =	sor.u32 $0x30, s12;
	v19 =	vadd.f32 v19, v53  }
0x198: {  	s22 =	sor.u32 s14, s1;
	v53 =	vld [tilespmem:s15+$0x0]  }
0x199: {  	v58 =	vld [tilespmem:s22+$0x80];
	v19 =	vadd.f32 v21, v19  }
0x19a: {  	v9 =	vadd.f32 v16, v9;
	v59 =	vld [tilespmem:s22+$0x100]  }
0x19b: {  	v17 =	vadd.f32 v18, v17;
	s13 =	sor.u32 $0x10, s12;
	v60 =	vld [tilespmem:s22+$0x180];
	v19 =	vadd.f32 v23, v19  }
0x19c: {  	v9 =	vadd.f32 v24, v9;
	s21 =	sadd.s32 $0x19F80, s18;
	s23 =	sor.u32 s13, s1;
	v24 =	vld [tilespmem:s22+$0x380]  }
0x19d: {  	v17 =	vadd.f32 v26, v17;
	s20 =	sor.u32 $0x1A000, s18;
	s26 =	sor.u32 s14, s21;
	v26 =	vld [tilespmem:s23+$0x100];
	v19 =	vadd.f32 v25, v19  }
0x19e: {  	v9 =	vadd.f32 v30, v9;
	s28 =	sor.u32 s14, s20;
	v30 =	vld [tilespmem:s26+$0x0]  }
0x19f: {  	v17 =	vadd.f32 v32, v17;
	v32 =	vld [tilespmem:s28+$0x0];
	v19 =	vadd.f32 v27, v19  }
0x1a0: {  	v9 =	vadd.f32 v36, v9;
	v61 =	vld [tilespmem:s23+$0x300]  }
0x1a1: {  	s15 =	sor.u32 $0x1A180, s18;
	v21 =	vld [tilespmem:s17+$0x0];
	v63 =	vadd.f32 v29, v19;
	v29 =	vadd.f32 v22, v20  }
0x1a2: {  	v17 =	vadd.f32 v38, v17;
	v9 =	vadd.f32 v41, v9;
	s31 =	sor.u32 s14, s15;
	v23 =	vld [tilespmem:s22+$0x0]  }
0x1a3: {  	v36 =	vld [tilespmem:s31+$0x0];
	v18 =	vadd.f32 v28, v29  }
0x1a4: {  	v17 =	vadd.f32 v42, v17;
	v9 =	vadd.f32 v44, v9;
	v25 =	vld [tilespmem:s23+$0x0]  }
0x1a5: {  	v27 =	vld [tilespmem:s23+$0x80];
	v18 =	vadd.f32 v34, v18  }
0x1a6: {  	v17 =	vadd.f32 v45, v17;
	v9 =	vadd.f32 v47, v9;
	v19 =	vld [tilespmem:s22+$0x200]  }
0x1a7: {  	v23 =	vadd.f32 v58, v23;
	v20 =	vld [tilespmem:s22+$0x280];
	v18 =	vadd.f32 v40, v18  }
0x1a8: {  	s0 =	sadd.s32 $0x19E80, s18;
	v17 =	vadd.f32 v48, v17;
	v22 =	vld [tilespmem:s22+$0x300];
	v16 =	vadd.f32 v31, v63  }
0x1a9: {  	s24 =	sor.u32 s14, s0;
	s22 =	sadd.s32 $0x19F00, s18;
	v23 =	vadd.f32 v59, v23;
	v59 =	vld [tilespmem:s23+$0x280];
	v18 =	vadd.f32 v43, v18  }
0x1aa: {  	v9 =	vadd.f32 v50, v9;
	s25 =	sor.u32 s14, s22;
	v28 =	vld [tilespmem:s24+$0x0];
	v16 =	vadd.f32 v33, v16  }
0x1ab: {  	s19 =	sor.u32 $0x1A080, s18;
	v10 =	vadd.f32 v10, v17;
	v29 =	vld [tilespmem:s25+$0x0];
	v18 =	vadd.f32 v46, v18  }
0x1ac: {  	s16 =	sor.u32 $0x1A200, s18;
	s17 =	sor.u32 $0x1A100, s18;
	v9 =	vadd.f32 v52, v9;
	s18 =	sor.u32 $0x20, s12;
	v31 =	vld [tilespmem:s23+$0x180];
	v16 =	vadd.f32 v35, v16  }
0x1ad: {  	v5 =	vadd.f32 v5, v10;
	s7 =	sor.u32 s18, s1;
	s1 =	sor.u32 s12, s1;
	v63 =	vld [tilespmem:s23+$0x380];
	v18 =	vadd.f32 v49, v18  }
0x1ae: {  	v6 =	vadd.f32 v6, v9;
	v41 =	vld [tilespmem:s1+$0x0];
	v16 =	vadd.f32 v37, v16  }
0x1af: {  	v42 =	vld [tilespmem:s7+$0x280];
	v23 =	vadd.f32 v60, v23;
	v58 =	vadd.f32 v51, v18  }
0x1b0: {  	v1 =	vadd.f32 v1, v5;
	v44 =	vld [tilespmem:s7+$0x380];
	v16 =	vadd.f32 v39, v16  }
0x1b1: {  	v45 =	vld [tilespmem:s1+$0x100];
	v39 =	vadd.f32 v19, v23;
	v62 =	vadd.f32 v11, v58  }
0x1b2: {  	s29 =	sor.u32 s14, s19;
	v2 =	vadd.f32 v2, v6;
	v0 =	vadd.f32 v0, v1;
	v48 =	vld [tilespmem:s1+$0x200]  }
0x1b3: {  	s30 =	sor.u32 s14, s17;
	v33 =	vld [tilespmem:s29+$0x0];
	v6 =	vadd.f32 v20, v39;
	v5 =	vadd.f32 v7, v62  }
0x1b4: {  	v34 =	vld [tilespmem:s30+$0x0];
	v2 =	vadd.f32 v8, v2;
	v0 =	vadd.f32 v4, v0  }
0x1b5: {  	v4 =	vld [tilespmem:s7+$0x180];
	v1 =	vadd.f32 v3, v5;
	v5 =	vadd.f32 v22, v6  }
0x1b6: {  	v47 =	vadd.f32 v27, v25;
	v8 =	vld [tilespmem:s7+$0x200]  }
0x1b7: {  	v40 =	vld [tilespmem:s7+$0x0];
	v2 =	vadd.f32 v13, v2;
	v5 =	vadd.f32 v24, v5  }
0x1b8: {  	v50 =	vadd.f32 v26, v47;
	v0 =	vadd.f32 v14, v0;
	v7 =	vld [tilespmem:s7+$0x80]  }
0x1b9: {  	v2 =	vadd.f32 v55, v2;
	v3 =	vld [tilespmem:s1+$0x80];
	v5 =	vadd.f32 v28, v5  }
0x1ba: {  	v52 =	vadd.f32 v31, v50;
	v0 =	vadd.f32 v15, v0;
	v6 =	vld [tilespmem:s7+$0x100]  }
0x1bb: {  	s3 =	sor.u32 s14, s16;
	v35 =	vld [tilespmem:s23+$0x200];
	v2 =	vadd.f32 v56, v2;
	v5 =	vadd.f32 v29, v5  }
0x1bc: {  	v37 =	vld [tilespmem:s3+$0x0];
	v0 =	vadd.f32 v21, v0;
	v1 =	vadd.f32 v12, v1  }
0x1bd: {  	v43 =	vld [tilespmem:s7+$0x300];
	v7 =	vadd.f32 v7, v40;
	v5 =	vadd.f32 v30, v5  }
0x1be: {  	s24 =	sor.u32 s18, s0;
	s23 =	sor.u32 s13, s0;
	s0 =	sor.u32 s12, s0;
	v46 =	vld [tilespmem:s1+$0x180];
	v1 =	vadd.f32 v54, v1;
	v3 =	vadd.f32 v3, v41  }
0x1bf: {  	s26 =	sor.u32 s18, s22;
	v55 =	vld [tilespmem:s0+$0x0];
	v6 =	vadd.f32 v6, v7;
	v5 =	vadd.f32 v32, v5  }
0x1c0: {  	v56 =	vld [tilespmem:s26+$0x0];
	v1 =	vadd.f32 v53, v1;
	v3 =	vadd.f32 v45, v3  }
0x1c1: {  	v49 =	vld [tilespmem:s1+$0x280];
	v4 =	vadd.f32 v4, v6;
	v5 =	vadd.f32 v33, v5  }
0x1c2: {  	s3 =	sor.u32 s12, s20;
	v51 =	vld [tilespmem:s1+$0x300];
	v6 =	vadd.f32 v35, v52;
	v1 =	vadd.f32 v57, v1  }
0x1c3: {  	v58 =	vld [tilespmem:s3+$0x0];
	v3 =	vadd.f32 v46, v3;
	v5 =	vadd.f32 v34, v5  }
0x1c4: {  	v54 =	vld [tilespmem:s24+$0x0];
	v4 =	vadd.f32 v8, v4;
	v6 =	vadd.f32 v59, v6  }
0x1c5: {  	(erf) = vrcp.f32 v16;
	v7 =	vld [tilespmem:s1+$0x380];
	v3 =	vadd.f32 v48, v3;
	v5 =	vadd.f32 v36, v5  }
0x1c6: {  	s30 =	sor.u32 s18, s21;
	(erf) = vrcp.f32 v2;
	v53 =	vld [tilespmem:s23+$0x0];
	v2 =	vadd.f32 v42, v4;
	v6 =	vadd.f32 v61, v6  }
0x1c7: {  	s25 =	sor.u32 s13, s22;
	(erf) = vrcp.f32 v0;
	v57 =	vld [tilespmem:s30+$0x0];
	v3 =	vadd.f32 v49, v3;
	v0 =	vadd.f32 v37, v5  }
0x1c8: {  	s28 =	sor.u32 s12, s22;
	v8 =	vld [tilespmem:s25+$0x0];
	(erf) = vrcp.f32 v1;
	v1 =	vadd.f32 v43, v2  }
0x1c9: {  	s29 =	sor.u32 s13, s21;
	v4 =	vld [tilespmem:s28+$0x0];
	v2 =	vadd.f32 v51, v3;
	(erf) = vrcp.f32 v0;
	v0 =	vadd.f32 v63, v6  }
0x1ca: {  	s4 =	sor.u32 s13, s19;
	v1 =	vadd.f32 v44, v1;
	v5 =	vld [tilespmem:s29+$0x0]  }
0x1cb: {  	s31 =	sor.u32 s12, s21;
	v59 =	vld [tilespmem:s4+$0x0];
	v2 =	vadd.f32 v7, v2;
	v0 =	vadd.f32 v53, v0  }
0x1cc: {  	s2 =	sor.u32 s18, s20;
	v3 =	vld [tilespmem:s31+$0x0];
	v1 =	vadd.f32 v54, v1  }
0x1cd: {  	s1 =	sor.u32 s13, s20;
	v7 =	vld [tilespmem:s2+$0x0];
	v2 =	vadd.f32 v55, v2;
	v0 =	vadd.f32 v8, v0  }
0x1ce: {  	s7 =	sand.u32 $0x380, s11;
	s11 =	sor.u32 s18, s19;
	v1 =	vadd.f32 v56, v1;
	v6 =	vld [tilespmem:s1+$0x0]  }
0x1cf: {  	s21 =	sor.u32 s12, s19;
	s20 =	sadd.s32 $0x16280, s7;
	v2 =	vadd.f32 v4, v2;
	v8 =	vld [tilespmem:s11+$0x0];
	v5 =	vadd.f32 v5, v0  }
0x1d0: {  	s26 =	sand.u32 $0x380, s6;
	v60 =	vpop (erf);
	s24 =	sor.u32 s13, s17;
	s23 =	sor.u32 s8, s20;
	v61 =	vld [tilespmem:s21+$0x0];
	v9 =	vadd.f32 v57, v1  }
0x1d1: {  	s19 =	sor.u32 s12, s16;
	s22 =	sor.u32 s10, s20;
	[tilespmem:s23+$0x0] =	vst v60;
	s28 =	sor.u32 s12, s17;
	v4 =	vpop (erf);
	v1 =	vld [tilespmem:s24+$0x0];
	v3 =	vadd.f32 v3, v2  }
0x1d2: {  	s0 =	sor.u32 s9, s20;
	s8 =	simm.s32 $0x16280;
	s29 =	sor.u32 s13, s15;
	v62 =	vpop (erf);
	[tilespmem:s22+$0x0] =	vst v4;
	v2 =	vld [tilespmem:s28+$0x0];
	v7 =	vadd.f32 v7, v9  }
0x1d3: {  	s20 =	sor.u32 s18, s16;
	s25 =	sor.u32 s18, s17;
	s1 =	sadd.s32 $0x16280, s26;
	[tilespmem:s0+$0x0] =	vst v62;
	v63 =	vadd.f32 v58, v3;
	v3 =	vld [tilespmem:s29+$0x0];
	v4 =	vadd.f32 v6, v5;
	v5 =	vpop (erf)  }
0x1d4: {  	s30 =	sor.u32 s18, s15;
	s21 =	sor.u32 s13, s16;
	s31 =	sor.u32 s14, s1;
	v0 =	vld [tilespmem:s25+$0x0];
	v7 =	vadd.f32 v8, v7;
	v6 =	vpop (erf);
	[tilespmem:s8+$0x0] =	vst v5  }
0x1d5: {  	s17 =	sor.u32 s13, s1;
	s22 =	sor.u32 s12, s15;
	s15 =	sor.u32 s18, s1;
	v5 =	vadd.f32 v61, v63;
	[tilespmem:s31+$0x0] =	vst v6;
	v6 =	vadd.f32 v59, v4;
	v4 =	vld [tilespmem:s30+$0x0]  }
.LBB2_5:
0x1d6: {  	s6 =	sadd.s32 $0x40, s6;
	v8 =	vld [tilespmem:s22+$0x0];
	s5 =	sadd.s32 $0x200, s5  }
0x1d7: {  	s16 =	sand.u32 $0x40, s6;
	s18 =	sand.u32 $0x1C00, s5;
	v1 =	vadd.f32 v1, v6;
	v6 =	vld [tilespmem:s21+$0x0]  }
0x1d8: {  	s0 =	sadd.s32 $0x18A80, s18;
	s9 =	sor.u32 $0x30, s16;
	v2 =	vadd.f32 v2, v5;
	v5 =	vld [tilespmem:s20+$0x0]  }
0x1d9: {  	s1 =	sor.u32 s9, s0;
	v0 =	vadd.f32 v0, v7;
	v7 =	vld [tilespmem:s19+$0x0]  }
0x1da: {  	s10 =	sor.u32 $0x10, s16;
	v1 =	vadd.f32 v3, v1;
	v3 =	vld [tilespmem:s1+$0x0]  }
0x1db: {  	s13 =	sor.u32 s10, s0;
	v0 =	vadd.f32 v4, v0;
	v4 =	vld [tilespmem:s1+$0x80]  }
0x1dc: {  	v2 =	vadd.f32 v8, v2;
	v8 =	vld [tilespmem:s13+$0x0]  }
0x1dd: {  	v1 =	vadd.f32 v6, v1;
	v6 =	vld [tilespmem:s1+$0x100]  }
0x1de: {  	s12 =	sor.u32 s16, s0;
	v0 =	vadd.f32 v5, v0;
	v5 =	vld [tilespmem:s13+$0x80]  }
0x1df: {  	s11 =	sor.u32 $0x20, s16;
	v2 =	vadd.f32 v7, v2;
	v7 =	vld [tilespmem:s12+$0x0]  }
0x1e0: {  	s14 =	sor.u32 s11, s0;
	(erf) = vrcp.f32 v1;
	v1 =	vld [tilespmem:s1+$0x180]  }
0x1e1: {  	v3 =	vadd.f32 v4, v3;
	v4 =	vld [tilespmem:s14+$0x80];
	(erf) = vrcp.f32 v0  }
0x1e2: {  	(erf) = vrcp.f32 v2;
	v2 =	vld [tilespmem:s1+$0x200]  }
0x1e3: {  	v0 =	vld [tilespmem:s14+$0x0];
	v3 =	vadd.f32 v6, v3  }
0x1e4: {  	v6 =	vld [tilespmem:s1+$0x280]  }
0x1e5: {  	v5 =	vadd.f32 v5, v8;
	v8 =	vld [tilespmem:s12+$0x80];
	v1 =	vadd.f32 v1, v3  }
0x1e6: {  	v3 =	vld [tilespmem:s1+$0x300]  }
0x1e7: {  	v1 =	vadd.f32 v2, v1  }
0x1e8: {  	s23 =	sadd.s32 $0x19E80, s18;
	v9 =	vld [tilespmem:s13+$0x100]  }
0x1e9: {  	s26 =	sor.u32 s9, s23;
	v0 =	vadd.f32 v4, v0;
	v2 =	vld [tilespmem:s1+$0x380];
	v4 =	vpop (erf);
	v1 =	vadd.f32 v6, v1  }
0x1ea: {  	v6 =	vld [tilespmem:s26+$0x0];
	[tilespmem:s17+$0x0] =	vst v4  }
0x1eb: {  	v4 =	vpop (erf);
	v1 =	vadd.f32 v3, v1;
	v3 =	vadd.f32 v8, v7;
	v8 =	vld [tilespmem:s13+$0x180]  }
0x1ec: {  	s28 =	sadd.s32 $0x19F00, s18;
	[tilespmem:s15+$0x0] =	vst v4;
	v60 =	vld [tilespmem:s13+$0x300]  }
0x1ed: {  	s8 =	sadd.s32 $0x40, s8;
	s30 =	sor.u32 s9, s28;
	v4 =	vpop (erf);
	v10 =	vld [tilespmem:s14+$0x100]  }
0x1ee: {  	[tilespmem:s8+$0x0] =	vst v4;
	v4 =	vld [tilespmem:s30+$0x0]  }
0x1ef: {  	v58 =	vld [tilespmem:s14+$0x180]  }
0x1f0: {  	s31 =	sadd.s32 $0x19F80, s18;
	v59 =	vld [tilespmem:s14+$0x200]  }
0x1f1: {  	s4 =	sor.u32 $0x1A000, s18;
	s25 =	sor.u32 s11, s23;
	s3 =	sor.u32 s9, s31;
	v7 =	vld [tilespmem:s12+$0x100];
	v1 =	vadd.f32 v2, v1  }
0x1f2: {  	s29 =	sor.u32 s11, s28;
	s2 =	sor.u32 s11, s31;
	s30 =	sor.u32 s10, s31;
	v2 =	vadd.f32 v9, v5;
	v5 =	vld [tilespmem:s3+$0x0]  }
0x1f3: {  	s7 =	sor.u32 s9, s4;
	[dreg:$0x5] =	wrdreg s25;
	s19 =	sor.u32 $0x1A080, s18;
	v61 =	vld [tilespmem:s30+$0x0];
	v1 =	vadd.f32 v6, v1  }
0x1f4: {  	[dreg:$0x9] =	wrdreg s29;
	s25 =	sor.u32 s10, s4;
	s20 =	sor.u32 s9, s19;
	v6 =	vld [tilespmem:s7+$0x0]  }
0x1f5: {  	s29 =	sor.u32 s16, s4;
	s21 =	sor.u32 $0x1A100, s18;
	s17 =	sor.u32 s16, s28;
	v1 =	vadd.f32 v4, v1;
	v4 =	vld [tilespmem:s20+$0x0]  }
0x1f6: {  	s15 =	sor.u32 s10, s28;
	s28 =	sor.u32 s11, s4;
	s4 =	sor.u32 s16, s19;
	v3 =	vadd.f32 v7, v3;
	v7 =	vld [tilespmem:s12+$0x180]  }
0x1f7: {  	[dreg:$0x6] =	wrdreg s2;
	s2 =	sor.u32 s9, s21;
	v62 =	vld [tilespmem:s4+$0x0];
	v1 =	vadd.f32 v5, v1  }
0x1f8: {  	s22 =	sor.u32 $0x1A180, s18;
	s0 =	sor.u32 s16, s23;
	v5 =	vld [tilespmem:s2+$0x0]  }
0x1f9: {  	[dreg:$0x8] =	wrdreg s0;
	s0 =	sor.u32 s9, s22;
	v2 =	vadd.f32 v8, v2;
	v8 =	vld [tilespmem:s13+$0x200];
	v1 =	vadd.f32 v6, v1  }
0x1fa: {  	s18 =	sor.u32 $0x1A200, s18;
	v6 =	vld [tilespmem:s0+$0x0]  }
0x1fb: {  	s0 =	sor.u32 s9, s18;
	v1 =	vadd.f32 v4, v1;
	v3 =	vadd.f32 v7, v3;
	v7 =	vld [tilespmem:s12+$0x200]  }
0x1fc: {  	v4 =	vld [tilespmem:s0+$0x0]  }
0x1fd: {  	v1 =	vadd.f32 v5, v1;
	v5 =	vld [tilespmem:s13+$0x280]  }
0x1fe: {  	v0 =	vadd.f32 v10, v0;
	v2 =	vadd.f32 v8, v2;
	v8 =	vld [tilespmem:s14+$0x280]  }
0x1ff: {  	v1 =	vadd.f32 v6, v1;
	v6 =	vld [tilespmem:s12+$0x280]  }
0x200: {  	v0 =	vadd.f32 v58, v0;
	v3 =	vadd.f32 v7, v3;
	v7 =	vld [tilespmem:s12+$0x300]  }
0x201: {  	v1 =	vadd.f32 v4, v1;
	v4 =	vld [tilespmem:s14+$0x300]  }
0x202: {  	s24 =	sor.u32 s10, s23;
	v0 =	vadd.f32 v59, v0;
	v2 =	vadd.f32 v5, v2;
	v5 =	vld [tilespmem:s14+$0x380]  }
0x203: {  	[dreg:$0x7] =	wrdreg s24;
	(erf) = vrcp.f32 v1;
	v1 =	vld [tilespmem:s13+$0x380]  }
0x204: {  	v0 =	vadd.f32 v8, v0;
	v3 =	vadd.f32 v6, v3;
	v6 =	vld [tilespmem:s12+$0x380];
	s12 =	rddreg [dreg:$0x7]  }
0x205: {  	s23 =	sor.u32 s10, s19;
	s24 =	sor.u32 s11, s21;
	s13 =	rddreg [dreg:$0x5];
	v8 =	vld [tilespmem:s12+$0x0]  }
0x206: {  	s26 =	sor.u32 s16, s31;
	s31 =	sor.u32 s11, s19;
	s14 =	rddreg [dreg:$0x8];
	v2 =	vadd.f32 v60, v2;
	v0 =	vadd.f32 v4, v0;
	v4 =	vld [tilespmem:s13+$0x0]  }
0x207: {  	s19 =	sor.u32 s16, s18;
	s3 =	sor.u32 s10, s21;
	s7 =	sor.u32 s16, s21;
	v3 =	vadd.f32 v7, v3;
	v7 =	vld [tilespmem:s14+$0x0]  }
0x208: {  	s21 =	sor.u32 s10, s18;
	s20 =	sor.u32 s11, s18;
	s18 =	rddreg [dreg:$0x9];
	v1 =	vadd.f32 v1, v2;
	v2 =	vld [tilespmem:s15+$0x0]  }
0x209: {  	v0 =	vadd.f32 v5, v0;
	v5 =	vld [tilespmem:s18+$0x0]  }
0x20a: {  	s30 =	rddreg [dreg:$0x6];
	v3 =	vadd.f32 v6, v3;
	v6 =	vld [tilespmem:s17+$0x0]  }
0x20b: {  	v1 =	vadd.f32 v8, v1;
	v0 =	vadd.f32 v4, v0;
	v4 =	vld [tilespmem:s30+$0x0]  }
0x20c: {  	s1 =	sor.u32 s10, s22;
	v3 =	vadd.f32 v7, v3;
	v7 =	vld [tilespmem:s26+$0x0]  }
0x20d: {  	s2 =	sor.u32 s11, s22;
	s22 =	sor.u32 s16, s22;
	s16 =	sand.u32 $0x380, s6;
	v1 =	vadd.f32 v2, v1;
	v2 =	vld [tilespmem:s25+$0x0]  }
0x20e: {  	s0 =	sadd.s32 $0x16280, s16;
	v0 =	vadd.f32 v5, v0;
	v5 =	vld [tilespmem:s28+$0x0]  }
0x20f: {  	s15 =	sor.u32 s11, s0;
	s17 =	sor.u32 s10, s0;
	s0 =	sor.u32 s9, s0;
	v8 =	vpop (erf);
	v3 =	vadd.f32 v6, v3;
	v6 =	vld [tilespmem:s29+$0x0]  }
0x210: {  	[tilespmem:s0+$0x0] =	vst v8;
	v8 =	vld [tilespmem:s23+$0x0];
	v1 =	vadd.f32 v61, v1  }
0x211: {  	p0 =	slt.u32 s6, $0x240;
	v0 =	vadd.f32 v4, v0;
	v4 =	vld [tilespmem:s31+$0x0]  }
.Ltmp2:
0x212: {  	v3 =	vadd.f32 v7, v3;
	v7 =	vadd.f32 v2, v1;
	v1 =	vld [tilespmem:s3+$0x0];
	(pc) =	sbr.rel @p0 .LBB2_5-.Ltmp2, $4  }
0x213: {  	v5 =	vadd.f32 v5, v0;
	v0 =	vld [tilespmem:s24+$0x0]  }
0x214: {  	v2 =	vld [tilespmem:s7+$0x0];
	v63 =	vadd.f32 v6, v3  }
0x215: {  	v3 =	vld [tilespmem:s1+$0x0];
	v6 =	vadd.f32 v8, v7  }
0x216: {  	v7 =	vadd.f32 v4, v5;
	v5 =	vadd.f32 v62, v63;
	v4 =	vld [tilespmem:s2+$0x0]  }
0x217: {  	v8 =	vld [tilespmem:s22+$0x0]  }
0x218: {  	v9 =	vld [tilespmem:s21+$0x0]  }
0x219: {  	v1 =	vadd.f32 v1, v6;
	v6 =	vld [tilespmem:s20+$0x0]  }
0x21a: {  	v0 =	vadd.f32 v0, v7;
	v7 =	vld [tilespmem:s19+$0x0]  }
0x21b: {  	v2 =	vadd.f32 v2, v5;
	v1 =	vadd.f32 v3, v1  }
0x21c: {  	v0 =	vadd.f32 v4, v0  }
0x21d: {  	v2 =	vadd.f32 v8, v2;
	v1 =	vadd.f32 v9, v1  }
0x21e: {  	v0 =	vadd.f32 v6, v0  }
0x21f: {  	v2 =	vadd.f32 v7, v2;
	(erf) = vrcp.f32 v1  }
0x220: {  	(erf) = vrcp.f32 v0  }
0x221: {  	(erf) = vrcp.f32 v2;
	_ =	sdelay $0x5  }
0x222: {  	s5 =	stileid.u32  }
0x223: {  	s0 =	smul.u32 $0xA00, s5;
	v0 =	vpop (erf)  }
0x224: {  	[tilespmem:s17+$0x0] =	vst v0;
	v0 =	vpop (erf)  }
0x225: {  	s1 =	sadd.s32 $0x40, s8;
	s2 =	rddreg [dreg:$0x3];
	s0 =	sshrl.u32 s0, $0x2;
	[tilespmem:s15+$0x0] =	vst v0;
	v0 =	vpop (erf)  }
0x226: {  	s30 =	simm.s32 $0x2;
	s29 =	sadd.s32 s0, s2;
	s0 =	simm.s32 $0x16280;
	[tilespmem:s1+$0x0] =	vst v0  }
0x227: {  	[spmem:s29] =	stream.linear.scatter [tilespmem:s0], [sflag:$0x2], $0x280, $0x38;
	[tilespmem:$0x1DD00] =	vst v63  }
0x228: {  	_ =	swait.ge [sflag:s30], $0x280  }
0x229: {  	[sflag:s30] =	ssyncset.done $0x0  }
0x22a: {  	[sflag:s30] =	ssyncadd.s32 $0xFFFFFD80  }
0x22b: {  	[bflag:$0x0] =	sbarrier.arrive $0xFFFF  }
0x22c: {  	[tilespmem:s0], [sflag:$0x2] =	stream.linear.gather [spmem:s2], $0x2800, $0x38;
	[tilespmem:$0x1DD00] =	vst v63  }
0x22d: {  	_ =	swait.ge [sflag:s30], $0x2800  }
0x22e: {  	[sflag:s30] =	ssyncset.done $0x0  }
0x22f: {  	s31 =	simm.s32 $0x4F20;
	[sflag:s30] =	ssyncadd.s32 $0xFFFFD800  }
0x230: {  	v0 =	vld [tilespmem:s31+$0x20]  }
0x231: {  	v1 =	vld [tilespmem:s31+$0xFFFFFFF0]  }
0x232: {  	v3 =	vld [tilespmem:s31+$0x0]  }
0x233: {  	v4 =	vld [tilespmem:s31+$0xFFFFFFE0]  }
0x234: {  	v5 =	vld [tilespmem:s31+$0x10];
	_ =	sdelay $0x1  }
0x235: {  	s1 =	simm.s32 $0xEC20  }
0x236: {  	v7 =	vld [tilespmem:s1+$0x20]  }
0x237: {  	v6 =	vld.idx.msk [tilespmem:v0+s0+$0x0], $0xffff  }
0x238: {  	v2 =	vld.idx.msk [tilespmem:v1+s0+$0x0], $0xffff  }
0x239: {  	v0 =	vld.idx.msk [tilespmem:v3+s0+$0x0], $0xffff  }
0x23a: {  	v3 =	vld.idx.msk [tilespmem:v4+s0+$0x0], $0xffff  }
0x23b: {  	v1 =	vld.idx.msk [tilespmem:v5+s0+$0x0], $0xffff  }
0x23c: {  	s3 =	simm.s32 $0x0;
	s4 =	simm.s32 $0x4F70;
	s2 =	simm.s32 $0xEC20;
	v4 =	vld [tilespmem:s1+$0xFFFFFFE0];
	v5 =	vmul.f32 v7, v6  }
.LBB2_7:
0x23d: {  	v6 =	vld [tilespmem:s4+$0x20];
	s3 =	sadd.s32 $0x50, s3  }
0x23e: {  	v7 =	vld [tilespmem:s4+$0xFFFFFFF0];
	p0 =	slt.u32 s3, $0x4DD0;
	[tilespmem:s1+$0x20] =	vst v5  }
0x23f: {  	v5 =	vld [tilespmem:s4+$0x0]  }
0x240: {  	v8 =	vld [tilespmem:s4+$0x10]  }
0x241: {  	v9 =	vld [tilespmem:s4+$0xFFFFFFE0];
	v3 =	vmul.f32 v4, v3  }
0x242: {  	v4 =	vld [tilespmem:s1+$0xFFFFFFF0]  }
0x243: {  	[tilespmem:s1+$0xFFFFFFE0] =	vst v3;
	v3 =	vld [tilespmem:s1+$0x0]  }
0x244: {  	v10 =	vld [tilespmem:s1+$0x10]  }
0x245: {  	s1 =	sadd.s32 $0x50, s1;
	v6 =	vld.idx.msk [tilespmem:v6+s0+$0x0], $0xffff  }
0x246: {  	v11 =	vld [tilespmem:s1+$0x20]  }
.Ltmp3:
0x247: {  	v4 =	vmul.f32 v4, v2;
	v2 =	vld.idx.msk [tilespmem:v7+s0+$0x0], $0xffff;
	(pc) =	sbr.rel @p0 .LBB2_7-.Ltmp3, $4  }
0x248: {  	v7 =	vmul.f32 v3, v0;
	v0 =	vld.idx.msk [tilespmem:v5+s0+$0x0], $0xffff  }
0x249: {  	v3 =	vld.idx.msk [tilespmem:v9+s0+$0x0], $0xffff;
	[tilespmem:s2+$0xFFFFFFF0] =	vst v4;
	v9 =	vmul.f32 v10, v1  }
0x24a: {  	v1 =	vld.idx.msk [tilespmem:v8+s0+$0x0], $0xffff;
	[tilespmem:s2+$0x0] =	vst v7  }
0x24b: {  	s4 =	sadd.s32 $0x50, s4;
	v4 =	vld [tilespmem:s1+$0xFFFFFFE0];
	v5 =	vmul.f32 v11, v6;
	[tilespmem:s2+$0x10] =	vst v9;
	s2 =	smov.u32 s1  }
0x24c: {  	v6 =	vld [tilespmem:s1+$0xFFFFFFF0]  }
0x24d: {  	v7 =	vld [tilespmem:s1+$0x0];
	_ =	sdelay $0x1  }
0x24e: {  	v8 =	vld [tilespmem:s1+$0x10]  }
0x24f: {  	v3 =	vmul.f32 v4, v3  }
0x250: {  	s0 =	rddreg [dreg:$0xb];
	[tilespmem:s1+$0x20] =	vst v5;
	v2 =	vmul.f32 v6, v2  }
0x251: {  	s0 =	smul.u32 $0x27400, s0;
	v0 =	vmul.f32 v7, v0;
	[tilespmem:s1+$0xFFFFFFE0] =	vst v3  }
0x252: {  	s1 =	rddreg [dreg:$0xc];
	[tilespmem:s2+$0xFFFFFFF0] =	vst v2  }
0x253: {  	s29 =	simm.s32 $0x80;
	v1 =	vmul.f32 v8, v1;
	[tilespmem:s2+$0x0] =	vst v0;
	s0 =	sor.u32 s1, s0  }
0x254: {  	s30 =	simm.s32 $0x400;
	s28 =	rddreg [dreg:$0xa];
	s0 =	sshrl.u32 s0, $0x3  }
0x255: {  	s3 =	simm.s32 $0xEC00;
	s31 =	simm.s32 $0x2;
	[tilespmem:s2+$0x10] =	vst v1;
	s0 =	sadd.s32 s28, s0  }
0x256: {  	[hbm4b:s0+s29] =	stream.strided.scatter [tilespmem:s3], [sflag:$0x2], $0x4E80, s30, s29, $0x38;
	[tilespmem:$0x1DD00] =	vst v63  }
0x257: {  	_ =	swait.ge [sflag:s31], $0x4E80  }
0x258: {  	[sflag:s31] =	ssyncset.done $0x0  }
0x259: {  	[sflag:s31] =	ssyncadd.s32 $0xFFFFB180  }
0x25a: {  	_ =	sfence.sel $0x180000  }
0x25b: {  	[bflag:$0x0] =	sbarrier.arrive $0xFFFF  }
0x25c: {  	_ =	strace $0x90000047  }
0x25d: {  	[bflag:$0x2] =	sbarrier.arrive $0xFFFF  }
0x25e: {  	p0 =	sne.s32 s5, $0x0;
	s0 =	rddreg [dreg:$0x4]  }
0x25f: {  	s0 =	sadd.s32 @!p0 $0x100000, s0  }
0x260: {  	[sflag:s0] =	ssyncadd.tile.s32 @!p0 $0x1;
	_ =	shalt  }
.Lfunc_end2:
_tile_overlayer_lowered:
.L_overlay_start_2:
0x261: {  	(tag) =	ssettag $0x2  }
0x262: {  	s0 =	rddreg [dreg:$0x0];
	s2 =	stileid.u32  }
0x263: {  	s1 =	rddreg [dreg:$0x1];
	p0 =	sne.s32 s2, $0x0  }
0x264: {  	s3 =	rddreg [dreg:$0x2];
	[bflag:$0x3] =	sbarrier.arrive $0xFFFF;
	s2 =	simm.s32 @!p0 $0x1C02  }
0x265: {  	[timem:s3], [sflag:s2] =	dma.local @!p0 [hbm:s0], s1  }
0x266: {  	s0 =	simm.s32 @!p0 $0x2  }
0x267: {  	_ =	swait.ge @!p0 [sflag:s0], s1  }
0x268: {  	s1 =	ssub.s32 @!p0 $0x0, s1;
	[sflag:s0] =	ssyncset.done @!p0 $0x0  }
0x269: {  	[sflag:s0] =	ssyncadd.s32 @!p0 s1  }
0x26a: {  	[bflag:$0x3] =	sbarrier.arrive $0xFFFF  }
0x26b: {  	_ =	shalt  }

</sc_bundles>
